<compile_context>
chip_gen: v7x
topology: tpu7x:2x2x1
jax: 0.10.2.dev20260603
libtpu: 0.0.44.dev20260713+nightly
codegen_flags: <defaults>
</compile_context>

<pallas_src>
import functools

import jax
import jax.numpy as jnp
from jax import lax
from jax.experimental import pallas as pl
from jax.experimental.pallas import tpu as pltpu
from jax.experimental.pallas import tpu_sc as plsc

NS = 4
K = 1024
SD = 64
D = NS * SD
B, N = 16, 1024
ROWS = B * N
RB = 1024
NB = ROWS // RB
DECAY = 0.99
LOSS_SCALE = 1.25 / (NS * ROWS * SD)


def _tc_body(x_ref, cb_ref, cc_ref, nn_ref, nnb_ref, counts_ref, loss_ref,
             acc_ref):
    b = pl.program_id(0)
    step_sum = jnp.float32(0.0)
    iota = lax.broadcasted_iota(jnp.int32, (RB, K), 1).astype(jnp.float32)
    for s in range(NS):
        xs = x_ref[:, s * SD:(s + 1) * SD]
        cs = cb_ref[s]
        x2 = jnp.sum(xs * xs, axis=1, keepdims=True)
        c2 = jnp.sum(cs * cs, axis=1)[None, :]
        xc = lax.dot_general(xs, cs, (((1,), (1,)), ((), ())),
                             preferred_element_type=jnp.float32)
        d = (x2 - 2.0 * xc) + c2
        m = jnp.min(d, axis=1, keepdims=True)
        mask = d == m
        idx = jnp.min(jnp.where(mask, iota, jnp.float32(K)),
                      axis=1).astype(jnp.int32)
        nn_ref[s, 0, 0, :] = idx
        nnb_ref[s, 0, 0, :] = idx + s * K
        cnt = jnp.sum(mask.astype(jnp.float32), axis=0)
        step_sum = step_sum + jnp.sum(m)

        @pl.when(b == 0)
        def _():
            counts_ref[s, 0, :] = cnt

        @pl.when(b > 0)
        def _():
            counts_ref[s, 0, :] = counts_ref[s, 0, :] + cnt

        @pl.when(b == NB - 1)
        def _():
            counts_ref[s, 0, :] = (DECAY * cc_ref[s, 0, :]
                                   + (1.0 - DECAY) * counts_ref[s, 0, :])

    @pl.when(b == 0)
    def _():
        acc_ref[0] = step_sum

    @pl.when(b > 0)
    def _():
        acc_ref[0] = acc_ref[0] + step_sum

    @pl.when(b == NB - 1)
    def _():
        loss_ref[0, 0] = acc_ref[0] * LOSS_SCALE


def _tc_call(x2d, codebooks, cc3):
    return pl.pallas_call(
        _tc_body,
        grid=(NB,),
        in_specs=[
            pl.BlockSpec((RB, D), lambda b: (b, 0)),
            pl.BlockSpec((NS, K, SD), lambda b: (0, 0, 0)),
            pl.BlockSpec((NS, 1, K), lambda b: (0, 0, 0)),
        ],
        out_specs=[
            pl.BlockSpec((NS, 1, 1, RB), lambda b: (0, b, 0, 0)),
            pl.BlockSpec((NS, 1, 1, RB), lambda b: (0, b, 0, 0)),
            pl.BlockSpec((NS, 1, K), lambda b: (0, 0, 0)),
            pl.BlockSpec(memory_space=pltpu.SMEM),
        ],
        out_shape=[
            jax.ShapeDtypeStruct((NS, NB, 1, RB), jnp.int32),
            jax.ShapeDtypeStruct((NS, NB, 1, RB), jnp.int32),
            jax.ShapeDtypeStruct((NS, 1, K), jnp.float32),
            jax.ShapeDtypeStruct((1, 1), jnp.float32),
        ],
        scratch_shapes=[pltpu.SMEM((1,), jnp.float32)],
        compiler_params=pltpu.CompilerParams(
            dimension_semantics=("arbitrary",)),
    )(x2d, codebooks, cc3)


NW = 32
CH = 128
CPW = NS * ROWS // NW // CH
PD = 128


def _sc_gather(idx2d, cbpad):
    mesh = plsc.VectorSubcoreMesh(core_axis_name="c", subcore_axis_name="s")

    @functools.partial(
        pl.kernel,
        out_type=jax.ShapeDtypeStruct((NS, ROWS, PD), jnp.float32),
        mesh=mesh,
        scratch_types=[
            pltpu.VMEM((CPW, CH), jnp.int32),
            pltpu.VMEM((CH, PD), jnp.float32),
            pltpu.VMEM((CH, PD), jnp.float32),
            pltpu.SemaphoreType.DMA,
            pltpu.SemaphoreType.DMA,
        ],
    )
    def k(idx_hbm, cb_hbm, out_hbm, idx_v, buf0, buf1, sem0, sem1):
        wid = lax.axis_index("s") * 2 + lax.axis_index("c")
        sec = (wid * CPW) // (ROWS // CH)
        n0 = wid * CPW * CH - sec * ROWS
        pltpu.sync_copy(idx_hbm.at[pl.ds(wid * CPW, CPW)], idx_v)
        bufs = (buf0, buf1)
        sems = (sem0, sem1)
        pending = pltpu.async_copy(cb_hbm.at[idx_v.at[0]], buf0, sem0)
        for c in range(CPW):
            pending.wait()
            if c + 1 < CPW:
                pending = pltpu.async_copy(
                    cb_hbm.at[idx_v.at[c + 1]], bufs[(c + 1) % 2],
                    sems[(c + 1) % 2])
            pltpu.sync_copy(bufs[c % 2],
                            out_hbm.at[sec, pl.ds(n0 + c * CH, CH)])

    return k(idx2d, cbpad)


def kernel(inputs, train, codebooks, cluster_counts):
    x2d = inputs.reshape(ROWS, D)
    nn4, nnb4, counts_ema, loss11 = _tc_call(
        x2d, codebooks, cluster_counts.reshape(NS, 1, K))
    cbpad = jnp.pad(codebooks.reshape(NS * K, SD), ((0, 0), (0, PD - SD)))
    q3 = _sc_gather(nnb4.reshape(NS * ROWS // CH, CH), cbpad)
    quantized = q3[:, :, :SD].transpose(1, 0, 2).reshape(B, N, D)
    nn_idx = nn4.reshape(NS, B, N)
    counts = jnp.where(train, counts_ema.reshape(NS, K), cluster_counts)
    loss = loss11.reshape(())
    codebook = lax.stop_gradient(codebooks.reshape(NS * K, SD))
    return quantized, loss, nn_idx, codebook, counts

# --- scband reference (transcript-rebuilt; emitter-appended) ---
"""Pipeline reference for scband-product-quantizer-44530220925012 (READ-ONLY COPY).

The authoritative reference and input builder live on the scoring server;
editing this copy changes nothing except your own understanding.
"""

import jax, jax.numpy as jnp
import numpy as np

NUM_SECTIONS = 4
NUM_CENTROIDS = 1024
EMA_DECAY = 0.99
INIT_SCALE = 0.1
COMMITMENT_LOSS = 0.25
B, N, D = 16, 1024, 256
SEC_DIM = D // NUM_SECTIONS


def setup_inputs(seed: int = 0) -> dict:
    key = jax.random.key(seed)
    k_in, k_cb = jax.random.split(key)
    inputs = jax.random.normal(k_in, (B, N, D), dtype=jnp.float32)
    # variance_scaling(scale=0.1, mode='fan_avg', distribution='normal') on shape (K, SEC_DIM):
    # fan_in = K (axis -2), fan_out = SEC_DIM (axis -1), std = sqrt(scale / fan_avg)
    fan_avg = (NUM_CENTROIDS + SEC_DIM) / 2.0
    std = float(np.sqrt(INIT_SCALE / fan_avg))
    codebooks = std * jax.random.normal(
        k_cb, (NUM_SECTIONS, NUM_CENTROIDS, SEC_DIM), dtype=jnp.float32)
    cluster_counts = jnp.ones((NUM_SECTIONS, NUM_CENTROIDS), dtype=jnp.float32)
    return {
        'inputs': inputs,
        'train': True,
        'codebooks': codebooks,
        'cluster_counts': cluster_counts,
    }


def reference(inputs, train, codebooks, cluster_counts):
    ns = NUM_SECTIONS
    input_sections = jnp.split(inputs, ns, axis=-1)
    quantized_l, nn_idx_l, loss_l, counts_l, cb_l = [], [], [], [], []
    for i in range(ns):
        sec = input_sections[i]
        cb = codebooks[i]
        embedding_dim = sec.shape[-1]
        flat = jnp.reshape(sec, (-1, embedding_dim))
        # squared L2 distances to centroids
        distances = (
            jnp.sum(flat ** 2, axis=1, keepdims=True)
            - 2.0 * flat @ cb.T
            + jnp.sum(cb ** 2, axis=1)[None, :]
        )
        nn_idx = jnp.argmin(distances, axis=-1)
        encodings = jax.nn.one_hot(nn_idx, NUM_CENTROIDS, dtype=flat.dtype)
        # EMA cluster count update (train branch)
        counts = jnp.sum(encodings, axis=0)
        new_counts = jnp.where(
            train,
            EMA_DECAY * cluster_counts[i] + (1.0 - EMA_DECAY) * counts,
            cluster_counts[i],
        )
        quantized = jnp.take(cb, nn_idx, axis=0)
        # codebook loss + commitment loss
        qloss = (
            jnp.mean(jnp.square(quantized - jax.lax.stop_gradient(flat)))
            + COMMITMENT_LOSS
            * jnp.mean(jnp.square(jax.lax.stop_gradient(quantized) - flat))
        )
        # straight-through estimator
        quantized_st = flat + jax.lax.stop_gradient(quantized - flat)
        quantized_l.append(jnp.reshape(quantized_st, sec.shape))
        nn_idx_l.append(jnp.reshape(nn_idx, (1,) + sec.shape[:-1]))
        loss_l.append(qloss)
        counts_l.append(new_counts)
        cb_l.append(cb)
    quantized = jnp.concatenate(quantized_l, axis=-1)
    nn_idx = jnp.concatenate(nn_idx_l, axis=0)
    codebook = jnp.concatenate(cb_l, axis=0)
    quantization_loss = jnp.mean(jnp.stack(loss_l, axis=0), axis=0)
    # stop_gradient_codes=True
    codebook = jax.lax.stop_gradient(codebook)
    return quantized, quantization_loss, nn_idx, codebook, jnp.stack(counts_l, axis=0)

if __name__ == "__main__":
    import jax
    _d = setup_inputs()
    print(jax.jit(kernel)(*tuple(_d.values())))

</pallas_src>

<mosaic_0001>
#map = affine_map<(d0, d1) -> (0, 0)>
#map1 = affine_map<(d0, d1) -> (0, 0, 0)>
module attributes {stable_mosaic.version = 14 : i64} {
  func.func @k(%arg0: i32, %arg1: i32, %arg2: memref<512x128xi32, #tpu.memory_space<hbm>>, %arg3: memref<4096x128xf32, #tpu.memory_space<hbm>>, %arg4: memref<4x16384x128xf32, #tpu.memory_space<hbm>>, %arg5: memref<16x128xi32, #tpu.memory_space<vmem>>, %arg6: memref<128x128xf32, #tpu.memory_space<vmem>>, %arg7: memref<128x128xf32, #tpu.memory_space<vmem>>, %arg8: memref<!tpu.dma_semaphore, #tpu.memory_space<semaphore_mem>>, %arg9: memref<!tpu.dma_semaphore, #tpu.memory_space<semaphore_mem>>) attributes {dimension_semantics = [#tpu.dimension_semantics<core_parallel>, #tpu.dimension_semantics<subcore_parallel>], iteration_bounds = array<i64: 2, 16>, scalar_prefetch = 0 : i64, scratch_operands = 5 : i64, tpu.core_type = #tpu.core_type<sc_vector_subcore>, window_params = [{transform_indices = #map}, {transform_indices = #map}, {transform_indices = #map1}]} {
    %mul3A = arith.constant 2 : i32
    %mul3A_0 = arith.muli %arg1, %mul3A : i32
    %add3A = arith.addi %mul3A_0, %arg0 : i32
    %mul3A_1 = arith.constant 16 : i32
    %mul3A_2 = arith.muli %add3A, %mul3A_1 : i32
    %jit3A = arith.constant 128 : i32
    %div3A = arith.divsi %mul3A_2, %jit3A : i32
    %sign3A = arith.constant 0 : i32
    %sign3A_3 = arith.cmpi sgt, %mul3A_2, %sign3A : i32
    %sign3A_4 = arith.extui %sign3A_3 : i1 to i32
    %sign3A_5 = arith.constant 0 : i32
    %sign3A_6 = arith.cmpi slt, %mul3A_2, %sign3A_5 : i32
    %sign3A_7 = arith.extui %sign3A_6 : i1 to i32
    %sign3A_8 = arith.subi %sign3A_4, %sign3A_7 : i32
    %sign3A_9 = arith.constant 0 : i32
    %sign3A_10 = arith.cmpi sgt, %jit3A, %sign3A_9 : i32
    %sign3A_11 = arith.extui %sign3A_10 : i1 to i32
    %sign3A_12 = arith.constant 0 : i32
    %sign3A_13 = arith.cmpi slt, %jit3A, %sign3A_12 : i32
    %sign3A_14 = arith.extui %sign3A_13 : i1 to i32
    %sign3A_15 = arith.subi %sign3A_11, %sign3A_14 : i32
    %ne3A = arith.cmpi ne, %sign3A_8, %sign3A_15 : i32
    %rem3A = arith.remsi %mul3A_2, %jit3A : i32
    %ne3A_16 = arith.constant 0 : i32
    %ne3A_17 = arith.cmpi ne, %rem3A, %ne3A_16 : i32
    %and3A = arith.andi %ne3A, %ne3A_17 : i1
    %sub3A = arith.constant 1 : i32
    %sub3A_18 = arith.subi %div3A, %sub3A : i32
    %select_n3A = arith.select %and3A, %sub3A_18, %div3A : i32
    %mul3A_19 = arith.constant 16 : i32
    %mul3A_20 = arith.muli %add3A, %mul3A_19 : i32
    %mul3A_21 = arith.constant 128 : i32
    %mul3A_22 = arith.muli %mul3A_20, %mul3A_21 : i32
    %mul3A_23 = arith.constant 16384 : i32
    %mul3A_24 = arith.muli %select_n3A, %mul3A_23 : i32
    %sub3A_25 = arith.subi %mul3A_22, %mul3A_24 : i32
    %mul3A_26 = arith.constant 16 : i32
    %mul3A_27 = arith.muli %add3A, %mul3A_26 : i32
    "tpu.region"() ({
      %run_scoped3A = tpu.sem_alloc : memref<!tpu.dma_semaphore, #tpu.memory_space<semaphore_mem>>
      %dma_start3A_282 = arith.constant 0 : i32
      %dma_start3A_283 = tpu.memref_slice %arg2[%mul3A_27, %dma_start3A_282] : memref<512x128xi32, #tpu.memory_space<hbm>> -> memref<16x128xi32, #tpu.memory_space<hbm>>
      %dma_start3A_284 = arith.constant 0 : i32
      %dma_start3A_285 = tpu.memref_slice %arg2[%mul3A_27, %dma_start3A_284] : memref<512x128xi32, #tpu.memory_space<hbm>> -> memref<16x128xi32, #tpu.memory_space<hbm>>
      tpu.enqueue_dma source(%dma_start3A_285 : memref<16x128xi32, #tpu.memory_space<hbm>>) target(%arg5 : memref<16x128xi32, #tpu.memory_space<vmem>>) target_semaphore(%run_scoped3A : memref<!tpu.dma_semaphore, #tpu.memory_space<semaphore_mem>>)
      %dma_wait3A_286 = arith.constant 0 : i32
      %dma_wait3A_287 = tpu.memref_slice %arg2[%mul3A_27, %dma_wait3A_286] : memref<512x128xi32, #tpu.memory_space<hbm>> -> memref<16x128xi32, #tpu.memory_space<hbm>>
      %dma_wait3A_288 = arith.constant 0 : i32
      %dma_wait3A_289 = tpu.memref_slice %arg2[%mul3A_27, %dma_wait3A_288] : memref<512x128xi32, #tpu.memory_space<hbm>> -> memref<16x128xi32, #tpu.memory_space<hbm>>
      tpu.wait_dma2 semaphore(%run_scoped3A : memref<!tpu.dma_semaphore, #tpu.memory_space<semaphore_mem>>) src(%dma_wait3A_289 : memref<16x128xi32, #tpu.memory_space<hbm>>) dst(%arg5 : memref<16x128xi32, #tpu.memory_space<vmem>>)
      tpu.yield
    }) : () -> ()
    %dma_start3A = arith.constant 0 : i32
    %dma_start3A_28 = arith.constant 0 : i32
    %dma_start3A_29 = tpu.memref_slice %arg5[%dma_start3A, %dma_start3A_28] : memref<16x128xi32, #tpu.memory_space<vmem>> -> memref<1x128xi32, #tpu.memory_space<vmem>>
    %dma_start3A_30 = tpu.memref_squeeze %dma_start3A_29 : memref<1x128xi32, #tpu.memory_space<vmem>> -> memref<128xi32, #tpu.memory_space<vmem>>
    %dma_start3A_31 = arith.constant 0 : i32
    %dma_start3A_32 = arith.constant 0 : i32
    %dma_start3A_33 = tpu.memref_slice %arg3[%dma_start3A_31, %dma_start3A_32] : memref<4096x128xf32, #tpu.memory_space<hbm>> -> memref<4096x128xf32, #tpu.memory_space<hbm>>
    tpu.enqueue_indirect_dma source(%dma_start3A_33 : memref<4096x128xf32, #tpu.memory_space<hbm>>) target(%arg6 : memref<128x128xf32, #tpu.memory_space<vmem>>) offsets(%dma_start3A_30 : memref<128xi32, #tpu.memory_space<vmem>>) semaphore(%arg8 : memref<!tpu.dma_semaphore, #tpu.memory_space<semaphore_mem>>)
    %dma_wait3A = arith.constant 0 : i32
    %dma_wait3A_34 = arith.constant 0 : i32
    %dma_wait3A_35 = tpu.memref_slice %arg5[%dma_wait3A, %dma_wait3A_34] : memref<16x128xi32, #tpu.memory_space<vmem>> -> memref<1x128xi32, #tpu.memory_space<vmem>>
    %dma_wait3A_36 = tpu.memref_squeeze %dma_wait3A_35 : memref<1x128xi32, #tpu.memory_space<vmem>> -> memref<128xi32, #tpu.memory_space<vmem>>
    %dma_wait3A_37 = arith.constant 0 : i32
    %dma_wait3A_38 = arith.constant 0 : i32
    %dma_wait3A_39 = tpu.memref_slice %arg3[%dma_wait3A_37, %dma_wait3A_38] : memref<4096x128xf32, #tpu.memory_space<hbm>> -> memref<4096x128xf32, #tpu.memory_space<hbm>>
    tpu.wait_indirect_dma semaphore(%arg8 : memref<!tpu.dma_semaphore, #tpu.memory_space<semaphore_mem>>) src(%dma_wait3A_39 : memref<4096x128xf32, #tpu.memory_space<hbm>>) dst(%arg6 : memref<128x128xf32, #tpu.memory_space<vmem>>)
    %dma_start3A_40 = arith.constant 1 : i32
    %dma_start3A_41 = arith.constant 0 : i32
    %dma_start3A_42 = tpu.memref_slice %arg5[%dma_start3A_40, %dma_start3A_41] : memref<16x128xi32, #tpu.memory_space<vmem>> -> memref<1x128xi32, #tpu.memory_space<vmem>>
    %dma_start3A_43 = tpu.memref_squeeze %dma_start3A_42 : memref<1x128xi32, #tpu.memory_space<vmem>> -> memref<128xi32, #tpu.memory_space<vmem>>
    %dma_start3A_44 = arith.constant 0 : i32
    %dma_start3A_45 = arith.constant 0 : i32
    %dma_start3A_46 = tpu.memref_slice %arg3[%dma_start3A_44, %dma_start3A_45] : memref<4096x128xf32, #tpu.memory_space<hbm>> -> memref<4096x128xf32, #tpu.memory_space<hbm>>
    tpu.enqueue_indirect_dma source(%dma_start3A_46 : memref<4096x128xf32, #tpu.memory_space<hbm>>) target(%arg7 : memref<128x128xf32, #tpu.memory_space<vmem>>) offsets(%dma_start3A_43 : memref<128xi32, #tpu.memory_space<vmem>>) semaphore(%arg9 : memref<!tpu.dma_semaphore, #tpu.memory_space<semaphore_mem>>)
    %add3A_47 = arith.constant 0 : i32
    %add3A_48 = arith.addi %sub3A_25, %add3A_47 : i32
    "tpu.region"() ({
      %run_scoped3A = tpu.sem_alloc : memref<!tpu.dma_semaphore, #tpu.memory_space<semaphore_mem>>
      %dma_start3A_282 = arith.constant 0 : i32
      %dma_start3A_283 = tpu.memref_slice %arg4[%select_n3A, %add3A_48, %dma_start3A_282] : memref<4x16384x128xf32, #tpu.memory_space<hbm>> -> memref<1x128x128xf32, #tpu.memory_space<hbm>>
      %dma_start3A_284 = tpu.memref_squeeze %dma_start3A_283 : memref<1x128x128xf32, #tpu.memory_space<hbm>> -> memref<128x128xf32, #tpu.memory_space<hbm>>
      %dma_start3A_285 = arith.constant 0 : i32
      %dma_start3A_286 = tpu.memref_slice %arg4[%select_n3A, %add3A_48, %dma_start3A_285] : memref<4x16384x128xf32, #tpu.memory_space<hbm>> -> memref<1x128x128xf32, #tpu.memory_space<hbm>>
      %dma_start3A_287 = tpu.memref_squeeze %dma_start3A_286 : memref<1x128x128xf32, #tpu.memory_space<hbm>> -> memref<128x128xf32, #tpu.memory_space<hbm>>
      tpu.enqueue_dma source(%arg6 : memref<128x128xf32, #tpu.memory_space<vmem>>) target(%dma_start3A_287 : memref<128x128xf32, #tpu.memory_space<hbm>>) target_semaphore(%run_scoped3A : memref<!tpu.dma_semaphore, #tpu.memory_space<semaphore_mem>>)
      %dma_wait3A_288 = arith.constant 0 : i32
      %dma_wait3A_289 = tpu.memref_slice %arg4[%select_n3A, %add3A_48, %dma_wait3A_288] : memref<4x16384x128xf32, #tpu.memory_space<hbm>> -> memref<1x128x128xf32, #tpu.memory_space<hbm>>
      %dma_wait3A_290 = tpu.memref_squeeze %dma_wait3A_289 : memref<1x128x128xf32, #tpu.memory_space<hbm>> -> memref<128x128xf32, #tpu.memory_space<hbm>>
      %dma_wait3A_291 = arith.constant 0 : i32
      %dma_wait3A_292 = tpu.memref_slice %arg4[%select_n3A, %add3A_48, %dma_wait3A_291] : memref<4x16384x128xf32, #tpu.memory_space<hbm>> -> memref<1x128x128xf32, #tpu.memory_space<hbm>>
      %dma_wait3A_293 = tpu.memref_squeeze %dma_wait3A_292 : memref<1x128x128xf32, #tpu.memory_space<hbm>> -> memref<128x128xf32, #tpu.memory_space<hbm>>
      tpu.wait_dma2 semaphore(%run_scoped3A : memref<!tpu.dma_semaphore, #tpu.memory_space<semaphore_mem>>) src(%arg6 : memref<128x128xf32, #tpu.memory_space<vmem>>) dst(%dma_wait3A_293 : memref<128x128xf32, #tpu.memory_space<hbm>>)
      tpu.yield
    }) : () -> ()
    %dma_wait3A_49 = arith.constant 1 : i32
    %dma_wait3A_50 = arith.constant 0 : i32
    %dma_wait3A_51 = tpu.memref_slice %arg5[%dma_wait3A_49, %dma_wait3A_50] : memref<16x128xi32, #tpu.memory_space<vmem>> -> memref<1x128xi32, #tpu.memory_space<vmem>>
    %dma_wait3A_52 = tpu.memref_squeeze %dma_wait3A_51 : memref<1x128xi32, #tpu.memory_space<vmem>> -> memref<128xi32, #tpu.memory_space<vmem>>
    %dma_wait3A_53 = arith.constant 0 : i32
    %dma_wait3A_54 = arith.constant 0 : i32
    %dma_wait3A_55 = tpu.memref_slice %arg3[%dma_wait3A_53, %dma_wait3A_54] : memref<4096x128xf32, #tpu.memory_space<hbm>> -> memref<4096x128xf32, #tpu.memory_space<hbm>>
    tpu.wait_indirect_dma semaphore(%arg9 : memref<!tpu.dma_semaphore, #tpu.memory_space<semaphore_mem>>) src(%dma_wait3A_55 : memref<4096x128xf32, #tpu.memory_space<hbm>>) dst(%arg7 : memref<128x128xf32, #tpu.memory_space<vmem>>)
    %dma_start3A_56 = arith.constant 2 : i32
    %dma_start3A_57 = arith.constant 0 : i32
    %dma_start3A_58 = tpu.memref_slice %arg5[%dma_start3A_56, %dma_start3A_57] : memref<16x128xi32, #tpu.memory_space<vmem>> -> memref<1x128xi32, #tpu.memory_space<vmem>>
    %dma_start3A_59 = tpu.memref_squeeze %dma_start3A_58 : memref<1x128xi32, #tpu.memory_space<vmem>> -> memref<128xi32, #tpu.memory_space<vmem>>
    %dma_start3A_60 = arith.constant 0 : i32
    %dma_start3A_61 = arith.constant 0 : i32
    %dma_start3A_62 = tpu.memref_slice %arg3[%dma_start3A_60, %dma_start3A_61] : memref<4096x128xf32, #tpu.memory_space<hbm>> -> memref<4096x128xf32, #tpu.memory_space<hbm>>
    tpu.enqueue_indirect_dma source(%dma_start3A_62 : memref<4096x128xf32, #tpu.memory_space<hbm>>) target(%arg6 : memref<128x128xf32, #tpu.memory_space<vmem>>) offsets(%dma_start3A_59 : memref<128xi32, #tpu.memory_space<vmem>>) semaphore(%arg8 : memref<!tpu.dma_semaphore, #tpu.memory_space<semaphore_mem>>)
    %add3A_63 = arith.constant 128 : i32
    %add3A_64 = arith.addi %sub3A_25, %add3A_63 : i32
    "tpu.region"() ({
      %run_scoped3A = tpu.sem_alloc : memref<!tpu.dma_semaphore, #tpu.memory_space<semaphore_mem>>
      %dma_start3A_282 = arith.constant 0 : i32
      %dma_start3A_283 = tpu.memref_slice %arg4[%select_n3A, %add3A_64, %dma_start3A_282] : memref<4x16384x128xf32, #tpu.memory_space<hbm>> -> memref<1x128x128xf32, #tpu.memory_space<hbm>>
      %dma_start3A_284 = tpu.memref_squeeze %dma_start3A_283 : memref<1x128x128xf32, #tpu.memory_space<hbm>> -> memref<128x128xf32, #tpu.memory_space<hbm>>
      %dma_start3A_285 = arith.constant 0 : i32
      %dma_start3A_286 = tpu.memref_slice %arg4[%select_n3A, %add3A_64, %dma_start3A_285] : memref<4x16384x128xf32, #tpu.memory_space<hbm>> -> memref<1x128x128xf32, #tpu.memory_space<hbm>>
      %dma_start3A_287 = tpu.memref_squeeze %dma_start3A_286 : memref<1x128x128xf32, #tpu.memory_space<hbm>> -> memref<128x128xf32, #tpu.memory_space<hbm>>
      tpu.enqueue_dma source(%arg7 : memref<128x128xf32, #tpu.memory_space<vmem>>) target(%dma_start3A_287 : memref<128x128xf32, #tpu.memory_space<hbm>>) target_semaphore(%run_scoped3A : memref<!tpu.dma_semaphore, #tpu.memory_space<semaphore_mem>>)
      %dma_wait3A_288 = arith.constant 0 : i32
      %dma_wait3A_289 = tpu.memref_slice %arg4[%select_n3A, %add3A_64, %dma_wait3A_288] : memref<4x16384x128xf32, #tpu.memory_space<hbm>> -> memref<1x128x128xf32, #tpu.memory_space<hbm>>
      %dma_wait3A_290 = tpu.memref_squeeze %dma_wait3A_289 : memref<1x128x128xf32, #tpu.memory_space<hbm>> -> memref<128x128xf32, #tpu.memory_space<hbm>>
      %dma_wait3A_291 = arith.constant 0 : i32
      %dma_wait3A_292 = tpu.memref_slice %arg4[%select_n3A, %add3A_64, %dma_wait3A_291] : memref<4x16384x128xf32, #tpu.memory_space<hbm>> -> memref<1x128x128xf32, #tpu.memory_space<hbm>>
      %dma_wait3A_293 = tpu.memref_squeeze %dma_wait3A_292 : memref<1x128x128xf32, #tpu.memory_space<hbm>> -> memref<128x128xf32, #tpu.memory_space<hbm>>
      tpu.wait_dma2 semaphore(%run_scoped3A : memref<!tpu.dma_semaphore, #tpu.memory_space<semaphore_mem>>) src(%arg7 : memref<128x128xf32, #tpu.memory_space<vmem>>) dst(%dma_wait3A_293 : memref<128x128xf32, #tpu.memory_space<hbm>>)
      tpu.yield
    }) : () -> ()
    %dma_wait3A_65 = arith.constant 2 : i32
    %dma_wait3A_66 = arith.constant 0 : i32
    %dma_wait3A_67 = tpu.memref_slice %arg5[%dma_wait3A_65, %dma_wait3A_66] : memref<16x128xi32, #tpu.memory_space<vmem>> -> memref<1x128xi32, #tpu.memory_space<vmem>>
    %dma_wait3A_68 = tpu.memref_squeeze %dma_wait3A_67 : memref<1x128xi32, #tpu.memory_space<vmem>> -> memref<128xi32, #tpu.memory_space<vmem>>
    %dma_wait3A_69 = arith.constant 0 : i32
    %dma_wait3A_70 = arith.constant 0 : i32
    %dma_wait3A_71 = tpu.memref_slice %arg3[%dma_wait3A_69, %dma_wait3A_70] : memref<4096x128xf32, #tpu.memory_space<hbm>> -> memref<4096x128xf32, #tpu.memory_space<hbm>>
    tpu.wait_indirect_dma semaphore(%arg8 : memref<!tpu.dma_semaphore, #tpu.memory_space<semaphore_mem>>) src(%dma_wait3A_71 : memref<4096x128xf32, #tpu.memory_space<hbm>>) dst(%arg6 : memref<128x128xf32, #tpu.memory_space<vmem>>)
    %dma_start3A_72 = arith.constant 3 : i32
    %dma_start3A_73 = arith.constant 0 : i32
    %dma_start3A_74 = tpu.memref_slice %arg5[%dma_start3A_72, %dma_start3A_73] : memref<16x128xi32, #tpu.memory_space<vmem>> -> memref<1x128xi32, #tpu.memory_space<vmem>>
    %dma_start3A_75 = tpu.memref_squeeze %dma_start3A_74 : memref<1x128xi32, #tpu.memory_space<vmem>> -> memref<128xi32, #tpu.memory_space<vmem>>
    %dma_start3A_76 = arith.constant 0 : i32
    %dma_start3A_77 = arith.constant 0 : i32
    %dma_start3A_78 = tpu.memref_slice %arg3[%dma_start3A_76, %dma_start3A_77] : memref<4096x128xf32, #tpu.memory_space<hbm>> -> memref<4096x128xf32, #tpu.memory_space<hbm>>
    tpu.enqueue_indirect_dma source(%dma_start3A_78 : memref<4096x128xf32, #tpu.memory_space<hbm>>) target(%arg7 : memref<128x128xf32, #tpu.memory_space<vmem>>) offsets(%dma_start3A_75 : memref<128xi32, #tpu.memory_space<vmem>>) semaphore(%arg9 : memref<!tpu.dma_semaphore, #tpu.memory_space<semaphore_mem>>)
    %add3A_79 = arith.constant 256 : i32
    %add3A_80 = arith.addi %sub3A_25, %add3A_79 : i32
    "tpu.region"() ({
      %run_scoped3A = tpu.sem_alloc : memref<!tpu.dma_semaphore, #tpu.memory_space<semaphore_mem>>
      %dma_start3A_282 = arith.constant 0 : i32
      %dma_start3A_283 = tpu.memref_slice %arg4[%select_n3A, %add3A_80, %dma_start3A_282] : memref<4x16384x128xf32, #tpu.memory_space<hbm>> -> memref<1x128x128xf32, #tpu.memory_space<hbm>>
      %dma_start3A_284 = tpu.memref_squeeze %dma_start3A_283 : memref<1x128x128xf32, #tpu.memory_space<hbm>> -> memref<128x128xf32, #tpu.memory_space<hbm>>
      %dma_start3A_285 = arith.constant 0 : i32
      %dma_start3A_286 = tpu.memref_slice %arg4[%select_n3A, %add3A_80, %dma_start3A_285] : memref<4x16384x128xf32, #tpu.memory_space<hbm>> -> memref<1x128x128xf32, #tpu.memory_space<hbm>>
      %dma_start3A_287 = tpu.memref_squeeze %dma_start3A_286 : memref<1x128x128xf32, #tpu.memory_space<hbm>> -> memref<128x128xf32, #tpu.memory_space<hbm>>
      tpu.enqueue_dma source(%arg6 : memref<128x128xf32, #tpu.memory_space<vmem>>) target(%dma_start3A_287 : memref<128x128xf32, #tpu.memory_space<hbm>>) target_semaphore(%run_scoped3A : memref<!tpu.dma_semaphore, #tpu.memory_space<semaphore_mem>>)
      %dma_wait3A_288 = arith.constant 0 : i32
      %dma_wait3A_289 = tpu.memref_slice %arg4[%select_n3A, %add3A_80, %dma_wait3A_288] : memref<4x16384x128xf32, #tpu.memory_space<hbm>> -> memref<1x128x128xf32, #tpu.memory_space<hbm>>
      %dma_wait3A_290 = tpu.memref_squeeze %dma_wait3A_289 : memref<1x128x128xf32, #tpu.memory_space<hbm>> -> memref<128x128xf32, #tpu.memory_space<hbm>>
      %dma_wait3A_291 = arith.constant 0 : i32
      %dma_wait3A_292 = tpu.memref_slice %arg4[%select_n3A, %add3A_80, %dma_wait3A_291] : memref<4x16384x128xf32, #tpu.memory_space<hbm>> -> memref<1x128x128xf32, #tpu.memory_space<hbm>>
      %dma_wait3A_293 = tpu.memref_squeeze %dma_wait3A_292 : memref<1x128x128xf32, #tpu.memory_space<hbm>> -> memref<128x128xf32, #tpu.memory_space<hbm>>
      tpu.wait_dma2 semaphore(%run_scoped3A : memref<!tpu.dma_semaphore, #tpu.memory_space<semaphore_mem>>) src(%arg6 : memref<128x128xf32, #tpu.memory_space<vmem>>) dst(%dma_wait3A_293 : memref<128x128xf32, #tpu.memory_space<hbm>>)
      tpu.yield
    }) : () -> ()
    %dma_wait3A_81 = arith.constant 3 : i32
    %dma_wait3A_82 = arith.constant 0 : i32
    %dma_wait3A_83 = tpu.memref_slice %arg5[%dma_wait3A_81, %dma_wait3A_82] : memref<16x128xi32, #tpu.memory_space<vmem>> -> memref<1x128xi32, #tpu.memory_space<vmem>>
    %dma_wait3A_84 = tpu.memref_squeeze %dma_wait3A_83 : memref<1x128xi32, #tpu.memory_space<vmem>> -> memref<128xi32, #tpu.memory_space<vmem>>
    %dma_wait3A_85 = arith.constant 0 : i32
    %dma_wait3A_86 = arith.constant 0 : i32
    %dma_wait3A_87 = tpu.memref_slice %arg3[%dma_wait3A_85, %dma_wait3A_86] : memref<4096x128xf32, #tpu.memory_space<hbm>> -> memref<4096x128xf32, #tpu.memory_space<hbm>>
    tpu.wait_indirect_dma semaphore(%arg9 : memref<!tpu.dma_semaphore, #tpu.memory_space<semaphore_mem>>) src(%dma_wait3A_87 : memref<4096x128xf32, #tpu.memory_space<hbm>>) dst(%arg7 : memref<128x128xf32, #tpu.memory_space<vmem>>)
    %dma_start3A_88 = arith.constant 4 : i32
    %dma_start3A_89 = arith.constant 0 : i32
    %dma_start3A_90 = tpu.memref_slice %arg5[%dma_start3A_88, %dma_start3A_89] : memref<16x128xi32, #tpu.memory_space<vmem>> -> memref<1x128xi32, #tpu.memory_space<vmem>>
    %dma_start3A_91 = tpu.memref_squeeze %dma_start3A_90 : memref<1x128xi32, #tpu.memory_space<vmem>> -> memref<128xi32, #tpu.memory_space<vmem>>
    %dma_start3A_92 = arith.constant 0 : i32
    %dma_start3A_93 = arith.constant 0 : i32
    %dma_start3A_94 = tpu.memref_slice %arg3[%dma_start3A_92, %dma_start3A_93] : memref<4096x128xf32, #tpu.memory_space<hbm>> -> memref<4096x128xf32, #tpu.memory_space<hbm>>
    tpu.enqueue_indirect_dma source(%dma_start3A_94 : memref<4096x128xf32, #tpu.memory_space<hbm>>) target(%arg6 : memref<128x128xf32, #tpu.memory_space<vmem>>) offsets(%dma_start3A_91 : memref<128xi32, #tpu.memory_space<vmem>>) semaphore(%arg8 : memref<!tpu.dma_semaphore, #tpu.memory_space<semaphore_mem>>)
    %add3A_95 = arith.constant 384 : i32
    %add3A_96 = arith.addi %sub3A_25, %add3A_95 : i32
    "tpu.region"() ({
      %run_scoped3A = tpu.sem_alloc : memref<!tpu.dma_semaphore, #tpu.memory_space<semaphore_mem>>
      %dma_start3A_282 = arith.constant 0 : i32
      %dma_start3A_283 = tpu.memref_slice %arg4[%select_n3A, %add3A_96, %dma_start3A_282] : memref<4x16384x128xf32, #tpu.memory_space<hbm>> -> memref<1x128x128xf32, #tpu.memory_space<hbm>>
      %dma_start3A_284 = tpu.memref_squeeze %dma_start3A_283 : memref<1x128x128xf32, #tpu.memory_space<hbm>> -> memref<128x128xf32, #tpu.memory_space<hbm>>
      %dma_start3A_285 = arith.constant 0 : i32
      %dma_start3A_286 = tpu.memref_slice %arg4[%select_n3A, %add3A_96, %dma_start3A_285] : memref<4x16384x128xf32, #tpu.memory_space<hbm>> -> memref<1x128x128xf32, #tpu.memory_space<hbm>>
      %dma_start3A_287 = tpu.memref_squeeze %dma_start3A_286 : memref<1x128x128xf32, #tpu.memory_space<hbm>> -> memref<128x128xf32, #tpu.memory_space<hbm>>
      tpu.enqueue_dma source(%arg7 : memref<128x128xf32, #tpu.memory_space<vmem>>) target(%dma_start3A_287 : memref<128x128xf32, #tpu.memory_space<hbm>>) target_semaphore(%run_scoped3A : memref<!tpu.dma_semaphore, #tpu.memory_space<semaphore_mem>>)
      %dma_wait3A_288 = arith.constant 0 : i32
      %dma_wait3A_289 = tpu.memref_slice %arg4[%select_n3A, %add3A_96, %dma_wait3A_288] : memref<4x16384x128xf32, #tpu.memory_space<hbm>> -> memref<1x128x128xf32, #tpu.memory_space<hbm>>
      %dma_wait3A_290 = tpu.memref_squeeze %dma_wait3A_289 : memref<1x128x128xf32, #tpu.memory_space<hbm>> -> memref<128x128xf32, #tpu.memory_space<hbm>>
      %dma_wait3A_291 = arith.constant 0 : i32
      %dma_wait3A_292 = tpu.memref_slice %arg4[%select_n3A, %add3A_96, %dma_wait3A_291] : memref<4x16384x128xf32, #tpu.memory_space<hbm>> -> memref<1x128x128xf32, #tpu.memory_space<hbm>>
      %dma_wait3A_293 = tpu.memref_squeeze %dma_wait3A_292 : memref<1x128x128xf32, #tpu.memory_space<hbm>> -> memref<128x128xf32, #tpu.memory_space<hbm>>
      tpu.wait_dma2 semaphore(%run_scoped3A : memref<!tpu.dma_semaphore, #tpu.memory_space<semaphore_mem>>) src(%arg7 : memref<128x128xf32, #tpu.memory_space<vmem>>) dst(%dma_wait3A_293 : memref<128x128xf32, #tpu.memory_space<hbm>>)
      tpu.yield
    }) : () -> ()
    %dma_wait3A_97 = arith.constant 4 : i32
    %dma_wait3A_98 = arith.constant 0 : i32
    %dma_wait3A_99 = tpu.memref_slice %arg5[%dma_wait3A_97, %dma_wait3A_98] : memref<16x128xi32, #tpu.memory_space<vmem>> -> memref<1x128xi32, #tpu.memory_space<vmem>>
    %dma_wait3A_100 = tpu.memref_squeeze %dma_wait3A_99 : memref<1x128xi32, #tpu.memory_space<vmem>> -> memref<128xi32, #tpu.memory_space<vmem>>
    %dma_wait3A_101 = arith.constant 0 : i32
    %dma_wait3A_102 = arith.constant 0 : i32
    %dma_wait3A_103 = tpu.memref_slice %arg3[%dma_wait3A_101, %dma_wait3A_102] : memref<4096x128xf32, #tpu.memory_space<hbm>> -> memref<4096x128xf32, #tpu.memory_space<hbm>>
    tpu.wait_indirect_dma semaphore(%arg8 : memref<!tpu.dma_semaphore, #tpu.memory_space<semaphore_mem>>) src(%dma_wait3A_103 : memref<4096x128xf32, #tpu.memory_space<hbm>>) dst(%arg6 : memref<128x128xf32, #tpu.memory_space<vmem>>)
    %dma_start3A_104 = arith.constant 5 : i32
    %dma_start3A_105 = arith.constant 0 : i32
    %dma_start3A_106 = tpu.memref_slice %arg5[%dma_start3A_104, %dma_start3A_105] : memref<16x128xi32, #tpu.memory_space<vmem>> -> memref<1x128xi32, #tpu.memory_space<vmem>>
    %dma_start3A_107 = tpu.memref_squeeze %dma_start3A_106 : memref<1x128xi32, #tpu.memory_space<vmem>> -> memref<128xi32, #tpu.memory_space<vmem>>
    %dma_start3A_108 = arith.constant 0 : i32
    %dma_start3A_109 = arith.constant 0 : i32
    %dma_start3A_110 = tpu.memref_slice %arg3[%dma_start3A_108, %dma_start3A_109] : memref<4096x128xf32, #tpu.memory_space<hbm>> -> memref<4096x128xf32, #tpu.memory_space<hbm>>
    tpu.enqueue_indirect_dma source(%dma_start3A_110 : memref<4096x128xf32, #tpu.memory_space<hbm>>) target(%arg7 : memref<128x128xf32, #tpu.memory_space<vmem>>) offsets(%dma_start3A_107 : memref<128xi32, #tpu.memory_space<vmem>>) semaphore(%arg9 : memref<!tpu.dma_semaphore, #tpu.memory_space<semaphore_mem>>)
    %add3A_111 = arith.constant 512 : i32
    %add3A_112 = arith.addi %sub3A_25, %add3A_111 : i32
    "tpu.region"() ({
      %run_scoped3A = tpu.sem_alloc : memref<!tpu.dma_semaphore, #tpu.memory_space<semaphore_mem>>
      %dma_start3A_282 = arith.constant 0 : i32
      %dma_start3A_283 = tpu.memref_slice %arg4[%select_n3A, %add3A_112, %dma_start3A_282] : memref<4x16384x128xf32, #tpu.memory_space<hbm>> -> memref<1x128x128xf32, #tpu.memory_space<hbm>>
      %dma_start3A_284 = tpu.memref_squeeze %dma_start3A_283 : memref<1x128x128xf32, #tpu.memory_space<hbm>> -> memref<128x128xf32, #tpu.memory_space<hbm>>
      %dma_start3A_285 = arith.constant 0 : i32
      %dma_start3A_286 = tpu.memref_slice %arg4[%select_n3A, %add3A_112, %dma_start3A_285] : memref<4x16384x128xf32, #tpu.memory_space<hbm>> -> memref<1x128x128xf32, #tpu.memory_space<hbm>>
      %dma_start3A_287 = tpu.memref_squeeze %dma_start3A_286 : memref<1x128x128xf32, #tpu.memory_space<hbm>> -> memref<128x128xf32, #tpu.memory_space<hbm>>
      tpu.enqueue_dma source(%arg6 : memref<128x128xf32, #tpu.memory_space<vmem>>) target(%dma_start3A_287 : memref<128x128xf32, #tpu.memory_space<hbm>>) target_semaphore(%run_scoped3A : memref<!tpu.dma_semaphore, #tpu.memory_space<semaphore_mem>>)
      %dma_wait3A_288 = arith.constant 0 : i32
      %dma_wait3A_289 = tpu.memref_slice %arg4[%select_n3A, %add3A_112, %dma_wait3A_288] : memref<4x16384x128xf32, #tpu.memory_space<hbm>> -> memref<1x128x128xf32, #tpu.memory_space<hbm>>
      %dma_wait3A_290 = tpu.memref_squeeze %dma_wait3A_289 : memref<1x128x128xf32, #tpu.memory_space<hbm>> -> memref<128x128xf32, #tpu.memory_space<hbm>>
      %dma_wait3A_291 = arith.constant 0 : i32
      %dma_wait3A_292 = tpu.memref_slice %arg4[%select_n3A, %add3A_112, %dma_wait3A_291] : memref<4x16384x128xf32, #tpu.memory_space<hbm>> -> memref<1x128x128xf32, #tpu.memory_space<hbm>>
      %dma_wait3A_293 = tpu.memref_squeeze %dma_wait3A_292 : memref<1x128x128xf32, #tpu.memory_space<hbm>> -> memref<128x128xf32, #tpu.memory_space<hbm>>
      tpu.wait_dma2 semaphore(%run_scoped3A : memref<!tpu.dma_semaphore, #tpu.memory_space<semaphore_mem>>) src(%arg6 : memref<128x128xf32, #tpu.memory_space<vmem>>) dst(%dma_wait3A_293 : memref<128x128xf32, #tpu.memory_space<hbm>>)
      tpu.yield
    }) : () -> ()
    %dma_wait3A_113 = arith.constant 5 : i32
    %dma_wait3A_114 = arith.constant 0 : i32
    %dma_wait3A_115 = tpu.memref_slice %arg5[%dma_wait3A_113, %dma_wait3A_114] : memref<16x128xi32, #tpu.memory_space<vmem>> -> memref<1x128xi32, #tpu.memory_space<vmem>>
    %dma_wait3A_116 = tpu.memref_squeeze %dma_wait3A_115 : memref<1x128xi32, #tpu.memory_space<vmem>> -> memref<128xi32, #tpu.memory_space<vmem>>
    %dma_wait3A_117 = arith.constant 0 : i32
    %dma_wait3A_118 = arith.constant 0 : i32
    %dma_wait3A_119 = tpu.memref_slice %arg3[%dma_wait3A_117, %dma_wait3A_118] : memref<4096x128xf32, #tpu.memory_space<hbm>> -> memref<4096x128xf32, #tpu.memory_space<hbm>>
    tpu.wait_indirect_dma semaphore(%arg9 : memref<!tpu.dma_semaphore, #tpu.memory_space<semaphore_mem>>) src(%dma_wait3A_119 : memref<4096x128xf32, #tpu.memory_space<hbm>>) dst(%arg7 : memref<128x128xf32, #tpu.memory_space<vmem>>)
    %dma_start3A_120 = arith.constant 6 : i32
    %dma_start3A_121 = arith.constant 0 : i32
    %dma_start3A_122 = tpu.memref_slice %arg5[%dma_start3A_120, %dma_start3A_121] : memref<16x128xi32, #tpu.memory_space<vmem>> -> memref<1x128xi32, #tpu.memory_space<vmem>>
    %dma_start3A_123 = tpu.memref_squeeze %dma_start3A_122 : memref<1x128xi32, #tpu.memory_space<vmem>> -> memref<128xi32, #tpu.memory_space<vmem>>
    %dma_start3A_124 = arith.constant 0 : i32
    %dma_start3A_125 = arith.constant 0 : i32
    %dma_start3A_126 = tpu.memref_slice %arg3[%dma_start3A_124, %dma_start3A_125] : memref<4096x128xf32, #tpu.memory_space<hbm>> -> memref<4096x128xf32, #tpu.memory_space<hbm>>
    tpu.enqueue_indirect_dma source(%dma_start3A_126 : memref<4096x128xf32, #tpu.memory_space<hbm>>) target(%arg6 : memref<128x128xf32, #tpu.memory_space<vmem>>) offsets(%dma_start3A_123 : memref<128xi32, #tpu.memory_space<vmem>>) semaphore(%arg8 : memref<!tpu.dma_semaphore, #tpu.memory_space<semaphore_mem>>)
    %add3A_127 = arith.constant 640 : i32
    %add3A_128 = arith.addi %sub3A_25, %add3A_127 : i32
    "tpu.region"() ({
      %run_scoped3A = tpu.sem_alloc : memref<!tpu.dma_semaphore, #tpu.memory_space<semaphore_mem>>
      %dma_start3A_282 = arith.constant 0 : i32
      %dma_start3A_283 = tpu.memref_slice %arg4[%select_n3A, %add3A_128, %dma_start3A_282] : memref<4x16384x128xf32, #tpu.memory_space<hbm>> -> memref<1x128x128xf32, #tpu.memory_space<hbm>>
      %dma_start3A_284 = tpu.memref_squeeze %dma_start3A_283 : memref<1x128x128xf32, #tpu.memory_space<hbm>> -> memref<128x128xf32, #tpu.memory_space<hbm>>
      %dma_start3A_285 = arith.constant 0 : i32
      %dma_start3A_286 = tpu.memref_slice %arg4[%select_n3A, %add3A_128, %dma_start3A_285] : memref<4x16384x128xf32, #tpu.memory_space<hbm>> -> memref<1x128x128xf32, #tpu.memory_space<hbm>>
      %dma_start3A_287 = tpu.memref_squeeze %dma_start3A_286 : memref<1x128x128xf32, #tpu.memory_space<hbm>> -> memref<128x128xf32, #tpu.memory_space<hbm>>
      tpu.enqueue_dma source(%arg7 : memref<128x128xf32, #tpu.memory_space<vmem>>) target(%dma_start3A_287 : memref<128x128xf32, #tpu.memory_space<hbm>>) target_semaphore(%run_scoped3A : memref<!tpu.dma_semaphore, #tpu.memory_space<semaphore_mem>>)
      %dma_wait3A_288 = arith.constant 0 : i32
      %dma_wait3A_289 = tpu.memref_slice %arg4[%select_n3A, %add3A_128, %dma_wait3A_288] : memref<4x16384x128xf32, #tpu.memory_space<hbm>> -> memref<1x128x128xf32, #tpu.memory_space<hbm>>
      %dma_wait3A_290 = tpu.memref_squeeze %dma_wait3A_289 : memref<1x128x128xf32, #tpu.memory_space<hbm>> -> memref<128x128xf32, #tpu.memory_space<hbm>>
      %dma_wait3A_291 = arith.constant 0 : i32
      %dma_wait3A_292 = tpu.memref_slice %arg4[%select_n3A, %add3A_128, %dma_wait3A_291] : memref<4x16384x128xf32, #tpu.memory_space<hbm>> -> memref<1x128x128xf32, #tpu.memory_space<hbm>>
      %dma_wait3A_293 = tpu.memref_squeeze %dma_wait3A_292 : memref<1x128x128xf32, #tpu.memory_space<hbm>> -> memref<128x128xf32, #tpu.memory_space<hbm>>
      tpu.wait_dma2 semaphore(%run_scoped3A : memref<!tpu.dma_semaphore, #tpu.memory_space<semaphore_mem>>) src(%arg7 : memref<128x128xf32, #tpu.memory_space<vmem>>) dst(%dma_wait3A_293 : memref<128x128xf32, #tpu.memory_space<hbm>>)
      tpu.yield
    }) : () -> ()
    %dma_wait3A_129 = arith.constant 6 : i32
    %dma_wait3A_130 = arith.constant 0 : i32
    %dma_wait3A_131 = tpu.memref_slice %arg5[%dma_wait3A_129, %dma_wait3A_130] : memref<16x128xi32, #tpu.memory_space<vmem>> -> memref<1x128xi32, #tpu.memory_space<vmem>>
    %dma_wait3A_132 = tpu.memref_squeeze %dma_wait3A_131 : memref<1x128xi32, #tpu.memory_space<vmem>> -> memref<128xi32, #tpu.memory_space<vmem>>
    %dma_wait3A_133 = arith.constant 0 : i32
    %dma_wait3A_134 = arith.constant 0 : i32
    %dma_wait3A_135 = tpu.memref_slice %arg3[%dma_wait3A_133, %dma_wait3A_134] : memref<4096x128xf32, #tpu.memory_space<hbm>> -> memref<4096x128xf32, #tpu.memory_space<hbm>>
    tpu.wait_indirect_dma semaphore(%arg8 : memref<!tpu.dma_semaphore, #tpu.memory_space<semaphore_mem>>) src(%dma_wait3A_135 : memref<4096x128xf32, #tpu.memory_space<hbm>>) dst(%arg6 : memref<128x128xf32, #tpu.memory_space<vmem>>)
    %dma_start3A_136 = arith.constant 7 : i32
    %dma_start3A_137 = arith.constant 0 : i32
    %dma_start3A_138 = tpu.memref_slice %arg5[%dma_start3A_136, %dma_start3A_137] : memref<16x128xi32, #tpu.memory_space<vmem>> -> memref<1x128xi32, #tpu.memory_space<vmem>>
    %dma_start3A_139 = tpu.memref_squeeze %dma_start3A_138 : memref<1x128xi32, #tpu.memory_space<vmem>> -> memref<128xi32, #tpu.memory_space<vmem>>
    %dma_start3A_140 = arith.constant 0 : i32
    %dma_start3A_141 = arith.constant 0 : i32
    %dma_start3A_142 = tpu.memref_slice %arg3[%dma_start3A_140, %dma_start3A_141] : memref<4096x128xf32, #tpu.memory_space<hbm>> -> memref<4096x128xf32, #tpu.memory_space<hbm>>
    tpu.enqueue_indirect_dma source(%dma_start3A_142 : memref<4096x128xf32, #tpu.memory_space<hbm>>) target(%arg7 : memref<128x128xf32, #tpu.memory_space<vmem>>) offsets(%dma_start3A_139 : memref<128xi32, #tpu.memory_space<vmem>>) semaphore(%arg9 : memref<!tpu.dma_semaphore, #tpu.memory_space<semaphore_mem>>)
    %add3A_143 = arith.constant 768 : i32
    %add3A_144 = arith.addi %sub3A_25, %add3A_143 : i32
    "tpu.region"() ({
      %run_scoped3A = tpu.sem_alloc : memref<!tpu.dma_semaphore, #tpu.memory_space<semaphore_mem>>
      %dma_start3A_282 = arith.constant 0 : i32
      %dma_start3A_283 = tpu.memref_slice %arg4[%select_n3A, %add3A_144, %dma_start3A_282] : memref<4x16384x128xf32, #tpu.memory_space<hbm>> -> memref<1x128x128xf32, #tpu.memory_space<hbm>>
      %dma_start3A_284 = tpu.memref_squeeze %dma_start3A_283 : memref<1x128x128xf32, #tpu.memory_space<hbm>> -> memref<128x128xf32, #tpu.memory_space<hbm>>
      %dma_start3A_285 = arith.constant 0 : i32
      %dma_start3A_286 = tpu.memref_slice %arg4[%select_n3A, %add3A_144, %dma_start3A_285] : memref<4x16384x128xf32, #tpu.memory_space<hbm>> -> memref<1x128x128xf32, #tpu.memory_space<hbm>>
      %dma_start3A_287 = tpu.memref_squeeze %dma_start3A_286 : memref<1x128x128xf32, #tpu.memory_space<hbm>> -> memref<128x128xf32, #tpu.memory_space<hbm>>
      tpu.enqueue_dma source(%arg6 : memref<128x128xf32, #tpu.memory_space<vmem>>) target(%dma_start3A_287 : memref<128x128xf32, #tpu.memory_space<hbm>>) target_semaphore(%run_scoped3A : memref<!tpu.dma_semaphore, #tpu.memory_space<semaphore_mem>>)
      %dma_wait3A_288 = arith.constant 0 : i32
      %dma_wait3A_289 = tpu.memref_slice %arg4[%select_n3A, %add3A_144, %dma_wait3A_288] : memref<4x16384x128xf32, #tpu.memory_space<hbm>> -> memref<1x128x128xf32, #tpu.memory_space<hbm>>
      %dma_wait3A_290 = tpu.memref_squeeze %dma_wait3A_289 : memref<1x128x128xf32, #tpu.memory_space<hbm>> -> memref<128x128xf32, #tpu.memory_space<hbm>>
      %dma_wait3A_291 = arith.constant 0 : i32
      %dma_wait3A_292 = tpu.memref_slice %arg4[%select_n3A, %add3A_144, %dma_wait3A_291] : memref<4x16384x128xf32, #tpu.memory_space<hbm>> -> memref<1x128x128xf32, #tpu.memory_space<hbm>>
      %dma_wait3A_293 = tpu.memref_squeeze %dma_wait3A_292 : memref<1x128x128xf32, #tpu.memory_space<hbm>> -> memref<128x128xf32, #tpu.memory_space<hbm>>
      tpu.wait_dma2 semaphore(%run_scoped3A : memref<!tpu.dma_semaphore, #tpu.memory_space<semaphore_mem>>) src(%arg6 : memref<128x128xf32, #tpu.memory_space<vmem>>) dst(%dma_wait3A_293 : memref<128x128xf32, #tpu.memory_space<hbm>>)
      tpu.yield
    }) : () -> ()
    %dma_wait3A_145 = arith.constant 7 : i32
    %dma_wait3A_146 = arith.constant 0 : i32
    %dma_wait3A_147 = tpu.memref_slice %arg5[%dma_wait3A_145, %dma_wait3A_146] : memref<16x128xi32, #tpu.memory_space<vmem>> -> memref<1x128xi32, #tpu.memory_space<vmem>>
    %dma_wait3A_148 = tpu.memref_squeeze %dma_wait3A_147 : memref<1x128xi32, #tpu.memory_space<vmem>> -> memref<128xi32, #tpu.memory_space<vmem>>
    %dma_wait3A_149 = arith.constant 0 : i32
    %dma_wait3A_150 = arith.constant 0 : i32
    %dma_wait3A_151 = tpu.memref_slice %arg3[%dma_wait3A_149, %dma_wait3A_150] : memref<4096x128xf32, #tpu.memory_space<hbm>> -> memref<4096x128xf32, #tpu.memory_space<hbm>>
    tpu.wait_indirect_dma semaphore(%arg9 : memref<!tpu.dma_semaphore, #tpu.memory_space<semaphore_mem>>) src(%dma_wait3A_151 : memref<4096x128xf32, #tpu.memory_space<hbm>>) dst(%arg7 : memref<128x128xf32, #tpu.memory_space<vmem>>)
    %dma_start3A_152 = arith.constant 8 : i32
    %dma_start3A_153 = arith.constant 0 : i32
    %dma_start3A_154 = tpu.memref_slice %arg5[%dma_start3A_152, %dma_start3A_153] : memref<16x128xi32, #tpu.memory_space<vmem>> -> memref<1x128xi32, #tpu.memory_space<vmem>>
    %dma_start3A_155 = tpu.memref_squeeze %dma_start3A_154 : memref<1x128xi32, #tpu.memory_space<vmem>> -> memref<128xi32, #tpu.memory_space<vmem>>
    %dma_start3A_156 = arith.constant 0 : i32
    %dma_start3A_157 = arith.constant 0 : i32
    %dma_start3A_158 = tpu.memref_slice %arg3[%dma_start3A_156, %dma_start3A_157] : memref<4096x128xf32, #tpu.memory_space<hbm>> -> memref<4096x128xf32, #tpu.memory_space<hbm>>
    tpu.enqueue_indirect_dma source(%dma_start3A_158 : memref<4096x128xf32, #tpu.memory_space<hbm>>) target(%arg6 : memref<128x128xf32, #tpu.memory_space<vmem>>) offsets(%dma_start3A_155 : memref<128xi32, #tpu.memory_space<vmem>>) semaphore(%arg8 : memref<!tpu.dma_semaphore, #tpu.memory_space<semaphore_mem>>)
    %add3A_159 = arith.constant 896 : i32
    %add3A_160 = arith.addi %sub3A_25, %add3A_159 : i32
    "tpu.region"() ({
      %run_scoped3A = tpu.sem_alloc : memref<!tpu.dma_semaphore, #tpu.memory_space<semaphore_mem>>
      %dma_start3A_282 = arith.constant 0 : i32
      %dma_start3A_283 = tpu.memref_slice %arg4[%select_n3A, %add3A_160, %dma_start3A_282] : memref<4x16384x128xf32, #tpu.memory_space<hbm>> -> memref<1x128x128xf32, #tpu.memory_space<hbm>>
      %dma_start3A_284 = tpu.memref_squeeze %dma_start3A_283 : memref<1x128x128xf32, #tpu.memory_space<hbm>> -> memref<128x128xf32, #tpu.memory_space<hbm>>
      %dma_start3A_285 = arith.constant 0 : i32
      %dma_start3A_286 = tpu.memref_slice %arg4[%select_n3A, %add3A_160, %dma_start3A_285] : memref<4x16384x128xf32, #tpu.memory_space<hbm>> -> memref<1x128x128xf32, #tpu.memory_space<hbm>>
      %dma_start3A_287 = tpu.memref_squeeze %dma_start3A_286 : memref<1x128x128xf32, #tpu.memory_space<hbm>> -> memref<128x128xf32, #tpu.memory_space<hbm>>
      tpu.enqueue_dma source(%arg7 : memref<128x128xf32, #tpu.memory_space<vmem>>) target(%dma_start3A_287 : memref<128x128xf32, #tpu.memory_space<hbm>>) target_semaphore(%run_scoped3A : memref<!tpu.dma_semaphore, #tpu.memory_space<semaphore_mem>>)
      %dma_wait3A_288 = arith.constant 0 : i32
      %dma_wait3A_289 = tpu.memref_slice %arg4[%select_n3A, %add3A_160, %dma_wait3A_288] : memref<4x16384x128xf32, #tpu.memory_space<hbm>> -> memref<1x128x128xf32, #tpu.memory_space<hbm>>
      %dma_wait3A_290 = tpu.memref_squeeze %dma_wait3A_289 : memref<1x128x128xf32, #tpu.memory_space<hbm>> -> memref<128x128xf32, #tpu.memory_space<hbm>>
      %dma_wait3A_291 = arith.constant 0 : i32
      %dma_wait3A_292 = tpu.memref_slice %arg4[%select_n3A, %add3A_160, %dma_wait3A_291] : memref<4x16384x128xf32, #tpu.memory_space<hbm>> -> memref<1x128x128xf32, #tpu.memory_space<hbm>>
      %dma_wait3A_293 = tpu.memref_squeeze %dma_wait3A_292 : memref<1x128x128xf32, #tpu.memory_space<hbm>> -> memref<128x128xf32, #tpu.memory_space<hbm>>
      tpu.wait_dma2 semaphore(%run_scoped3A : memref<!tpu.dma_semaphore, #tpu.memory_space<semaphore_mem>>) src(%arg7 : memref<128x128xf32, #tpu.memory_space<vmem>>) dst(%dma_wait3A_293 : memref<128x128xf32, #tpu.memory_space<hbm>>)
      tpu.yield
    }) : () -> ()
    %dma_wait3A_161 = arith.constant 8 : i32
    %dma_wait3A_162 = arith.constant 0 : i32
    %dma_wait3A_163 = tpu.memref_slice %arg5[%dma_wait3A_161, %dma_wait3A_162] : memref<16x128xi32, #tpu.memory_space<vmem>> -> memref<1x128xi32, #tpu.memory_space<vmem>>
    %dma_wait3A_164 = tpu.memref_squeeze %dma_wait3A_163 : memref<1x128xi32, #tpu.memory_space<vmem>> -> memref<128xi32, #tpu.memory_space<vmem>>
    %dma_wait3A_165 = arith.constant 0 : i32
    %dma_wait3A_166 = arith.constant 0 : i32
    %dma_wait3A_167 = tpu.memref_slice %arg3[%dma_wait3A_165, %dma_wait3A_166] : memref<4096x128xf32, #tpu.memory_space<hbm>> -> memref<4096x128xf32, #tpu.memory_space<hbm>>
    tpu.wait_indirect_dma semaphore(%arg8 : memref<!tpu.dma_semaphore, #tpu.memory_space<semaphore_mem>>) src(%dma_wait3A_167 : memref<4096x128xf32, #tpu.memory_space<hbm>>) dst(%arg6 : memref<128x128xf32, #tpu.memory_space<vmem>>)
    %dma_start3A_168 = arith.constant 9 : i32
    %dma_start3A_169 = arith.constant 0 : i32
    %dma_start3A_170 = tpu.memref_slice %arg5[%dma_start3A_168, %dma_start3A_169] : memref<16x128xi32, #tpu.memory_space<vmem>> -> memref<1x128xi32, #tpu.memory_space<vmem>>
    %dma_start3A_171 = tpu.memref_squeeze %dma_start3A_170 : memref<1x128xi32, #tpu.memory_space<vmem>> -> memref<128xi32, #tpu.memory_space<vmem>>
    %dma_start3A_172 = arith.constant 0 : i32
    %dma_start3A_173 = arith.constant 0 : i32
    %dma_start3A_174 = tpu.memref_slice %arg3[%dma_start3A_172, %dma_start3A_173] : memref<4096x128xf32, #tpu.memory_space<hbm>> -> memref<4096x128xf32, #tpu.memory_space<hbm>>
    tpu.enqueue_indirect_dma source(%dma_start3A_174 : memref<4096x128xf32, #tpu.memory_space<hbm>>) target(%arg7 : memref<128x128xf32, #tpu.memory_space<vmem>>) offsets(%dma_start3A_171 : memref<128xi32, #tpu.memory_space<vmem>>) semaphore(%arg9 : memref<!tpu.dma_semaphore, #tpu.memory_space<semaphore_mem>>)
    %add3A_175 = arith.constant 1024 : i32
    %add3A_176 = arith.addi %sub3A_25, %add3A_175 : i32
    "tpu.region"() ({
      %run_scoped3A = tpu.sem_alloc : memref<!tpu.dma_semaphore, #tpu.memory_space<semaphore_mem>>
      %dma_start3A_282 = arith.constant 0 : i32
      %dma_start3A_283 = tpu.memref_slice %arg4[%select_n3A, %add3A_176, %dma_start3A_282] : memref<4x16384x128xf32, #tpu.memory_space<hbm>> -> memref<1x128x128xf32, #tpu.memory_space<hbm>>
      %dma_start3A_284 = tpu.memref_squeeze %dma_start3A_283 : memref<1x128x128xf32, #tpu.memory_space<hbm>> -> memref<128x128xf32, #tpu.memory_space<hbm>>
      %dma_start3A_285 = arith.constant 0 : i32
      %dma_start3A_286 = tpu.memref_slice %arg4[%select_n3A, %add3A_176, %dma_start3A_285] : memref<4x16384x128xf32, #tpu.memory_space<hbm>> -> memref<1x128x128xf32, #tpu.memory_space<hbm>>
      %dma_start3A_287 = tpu.memref_squeeze %dma_start3A_286 : memref<1x128x128xf32, #tpu.memory_space<hbm>> -> memref<128x128xf32, #tpu.memory_space<hbm>>
      tpu.enqueue_dma source(%arg6 : memref<128x128xf32, #tpu.memory_space<vmem>>) target(%dma_start3A_287 : memref<128x128xf32, #tpu.memory_space<hbm>>) target_semaphore(%run_scoped3A : memref<!tpu.dma_semaphore, #tpu.memory_space<semaphore_mem>>)
      %dma_wait3A_288 = arith.constant 0 : i32
      %dma_wait3A_289 = tpu.memref_slice %arg4[%select_n3A, %add3A_176, %dma_wait3A_288] : memref<4x16384x128xf32, #tpu.memory_space<hbm>> -> memref<1x128x128xf32, #tpu.memory_space<hbm>>
      %dma_wait3A_290 = tpu.memref_squeeze %dma_wait3A_289 : memref<1x128x128xf32, #tpu.memory_space<hbm>> -> memref<128x128xf32, #tpu.memory_space<hbm>>
      %dma_wait3A_291 = arith.constant 0 : i32
      %dma_wait3A_292 = tpu.memref_slice %arg4[%select_n3A, %add3A_176, %dma_wait3A_291] : memref<4x16384x128xf32, #tpu.memory_space<hbm>> -> memref<1x128x128xf32, #tpu.memory_space<hbm>>
      %dma_wait3A_293 = tpu.memref_squeeze %dma_wait3A_292 : memref<1x128x128xf32, #tpu.memory_space<hbm>> -> memref<128x128xf32, #tpu.memory_space<hbm>>
      tpu.wait_dma2 semaphore(%run_scoped3A : memref<!tpu.dma_semaphore, #tpu.memory_space<semaphore_mem>>) src(%arg6 : memref<128x128xf32, #tpu.memory_space<vmem>>) dst(%dma_wait3A_293 : memref<128x128xf32, #tpu.memory_space<hbm>>)
      tpu.yield
    }) : () -> ()
    %dma_wait3A_177 = arith.constant 9 : i32
    %dma_wait3A_178 = arith.constant 0 : i32
    %dma_wait3A_179 = tpu.memref_slice %arg5[%dma_wait3A_177, %dma_wait3A_178] : memref<16x128xi32, #tpu.memory_space<vmem>> -> memref<1x128xi32, #tpu.memory_space<vmem>>
    %dma_wait3A_180 = tpu.memref_squeeze %dma_wait3A_179 : memref<1x128xi32, #tpu.memory_space<vmem>> -> memref<128xi32, #tpu.memory_space<vmem>>
    %dma_wait3A_181 = arith.constant 0 : i32
    %dma_wait3A_182 = arith.constant 0 : i32
    %dma_wait3A_183 = tpu.memref_slice %arg3[%dma_wait3A_181, %dma_wait3A_182] : memref<4096x128xf32, #tpu.memory_space<hbm>> -> memref<4096x128xf32, #tpu.memory_space<hbm>>
    tpu.wait_indirect_dma semaphore(%arg9 : memref<!tpu.dma_semaphore, #tpu.memory_space<semaphore_mem>>) src(%dma_wait3A_183 : memref<4096x128xf32, #tpu.memory_space<hbm>>) dst(%arg7 : memref<128x128xf32, #tpu.memory_space<vmem>>)
    %dma_start3A_184 = arith.constant 10 : i32
    %dma_start3A_185 = arith.constant 0 : i32
    %dma_start3A_186 = tpu.memref_slice %arg5[%dma_start3A_184, %dma_start3A_185] : memref<16x128xi32, #tpu.memory_space<vmem>> -> memref<1x128xi32, #tpu.memory_space<vmem>>
    %dma_start3A_187 = tpu.memref_squeeze %dma_start3A_186 : memref<1x128xi32, #tpu.memory_space<vmem>> -> memref<128xi32, #tpu.memory_space<vmem>>
    %dma_start3A_188 = arith.constant 0 : i32
    %dma_start3A_189 = arith.constant 0 : i32
    %dma_start3A_190 = tpu.memref_slice %arg3[%dma_start3A_188, %dma_start3A_189] : memref<4096x128xf32, #tpu.memory_space<hbm>> -> memref<4096x128xf32, #tpu.memory_space<hbm>>
    tpu.enqueue_indirect_dma source(%dma_start3A_190 : memref<4096x128xf32, #tpu.memory_space<hbm>>) target(%arg6 : memref<128x128xf32, #tpu.memory_space<vmem>>) offsets(%dma_start3A_187 : memref<128xi32, #tpu.memory_space<vmem>>) semaphore(%arg8 : memref<!tpu.dma_semaphore, #tpu.memory_space<semaphore_mem>>)
    %add3A_191 = arith.constant 1152 : i32
    %add3A_192 = arith.addi %sub3A_25, %add3A_191 : i32
    "tpu.region"() ({
      %run_scoped3A = tpu.sem_alloc : memref<!tpu.dma_semaphore, #tpu.memory_space<semaphore_mem>>
      %dma_start3A_282 = arith.constant 0 : i32
      %dma_start3A_283 = tpu.memref_slice %arg4[%select_n3A, %add3A_192, %dma_start3A_282] : memref<4x16384x128xf32, #tpu.memory_space<hbm>> -> memref<1x128x128xf32, #tpu.memory_space<hbm>>
      %dma_start3A_284 = tpu.memref_squeeze %dma_start3A_283 : memref<1x128x128xf32, #tpu.memory_space<hbm>> -> memref<128x128xf32, #tpu.memory_space<hbm>>
      %dma_start3A_285 = arith.constant 0 : i32
      %dma_start3A_286 = tpu.memref_slice %arg4[%select_n3A, %add3A_192, %dma_start3A_285] : memref<4x16384x128xf32, #tpu.memory_space<hbm>> -> memref<1x128x128xf32, #tpu.memory_space<hbm>>
      %dma_start3A_287 = tpu.memref_squeeze %dma_start3A_286 : memref<1x128x128xf32, #tpu.memory_space<hbm>> -> memref<128x128xf32, #tpu.memory_space<hbm>>
      tpu.enqueue_dma source(%arg7 : memref<128x128xf32, #tpu.memory_space<vmem>>) target(%dma_start3A_287 : memref<128x128xf32, #tpu.memory_space<hbm>>) target_semaphore(%run_scoped3A : memref<!tpu.dma_semaphore, #tpu.memory_space<semaphore_mem>>)
      %dma_wait3A_288 = arith.constant 0 : i32
      %dma_wait3A_289 = tpu.memref_slice %arg4[%select_n3A, %add3A_192, %dma_wait3A_288] : memref<4x16384x128xf32, #tpu.memory_space<hbm>> -> memref<1x128x128xf32, #tpu.memory_space<hbm>>
      %dma_wait3A_290 = tpu.memref_squeeze %dma_wait3A_289 : memref<1x128x128xf32, #tpu.memory_space<hbm>> -> memref<128x128xf32, #tpu.memory_space<hbm>>
      %dma_wait3A_291 = arith.constant 0 : i32
      %dma_wait3A_292 = tpu.memref_slice %arg4[%select_n3A, %add3A_192, %dma_wait3A_291] : memref<4x16384x128xf32, #tpu.memory_space<hbm>> -> memref<1x128x128xf32, #tpu.memory_space<hbm>>
      %dma_wait3A_293 = tpu.memref_squeeze %dma_wait3A_292 : memref<1x128x128xf32, #tpu.memory_space<hbm>> -> memref<128x128xf32, #tpu.memory_space<hbm>>
      tpu.wait_dma2 semaphore(%run_scoped3A : memref<!tpu.dma_semaphore, #tpu.memory_space<semaphore_mem>>) src(%arg7 : memref<128x128xf32, #tpu.memory_space<vmem>>) dst(%dma_wait3A_293 : memref<128x128xf32, #tpu.memory_space<hbm>>)
      tpu.yield
    }) : () -> ()
    %dma_wait3A_193 = arith.constant 10 : i32
    %dma_wait3A_194 = arith.constant 0 : i32
    %dma_wait3A_195 = tpu.memref_slice %arg5[%dma_wait3A_193, %dma_wait3A_194] : memref<16x128xi32, #tpu.memory_space<vmem>> -> memref<1x128xi32, #tpu.memory_space<vmem>>
    %dma_wait3A_196 = tpu.memref_squeeze %dma_wait3A_195 : memref<1x128xi32, #tpu.memory_space<vmem>> -> memref<128xi32, #tpu.memory_space<vmem>>
    %dma_wait3A_197 = arith.constant 0 : i32
    %dma_wait3A_198 = arith.constant 0 : i32
    %dma_wait3A_199 = tpu.memref_slice %arg3[%dma_wait3A_197, %dma_wait3A_198] : memref<4096x128xf32, #tpu.memory_space<hbm>> -> memref<4096x128xf32, #tpu.memory_space<hbm>>
    tpu.wait_indirect_dma semaphore(%arg8 : memref<!tpu.dma_semaphore, #tpu.memory_space<semaphore_mem>>) src(%dma_wait3A_199 : memref<4096x128xf32, #tpu.memory_space<hbm>>) dst(%arg6 : memref<128x128xf32, #tpu.memory_space<vmem>>)
    %dma_start3A_200 = arith.constant 11 : i32
    %dma_start3A_201 = arith.constant 0 : i32
    %dma_start3A_202 = tpu.memref_slice %arg5[%dma_start3A_200, %dma_start3A_201] : memref<16x128xi32, #tpu.memory_space<vmem>> -> memref<1x128xi32, #tpu.memory_space<vmem>>
    %dma_start3A_203 = tpu.memref_squeeze %dma_start3A_202 : memref<1x128xi32, #tpu.memory_space<vmem>> -> memref<128xi32, #tpu.memory_space<vmem>>
    %dma_start3A_204 = arith.constant 0 : i32
    %dma_start3A_205 = arith.constant 0 : i32
    %dma_start3A_206 = tpu.memref_slice %arg3[%dma_start3A_204, %dma_start3A_205] : memref<4096x128xf32, #tpu.memory_space<hbm>> -> memref<4096x128xf32, #tpu.memory_space<hbm>>
    tpu.enqueue_indirect_dma source(%dma_start3A_206 : memref<4096x128xf32, #tpu.memory_space<hbm>>) target(%arg7 : memref<128x128xf32, #tpu.memory_space<vmem>>) offsets(%dma_start3A_203 : memref<128xi32, #tpu.memory_space<vmem>>) semaphore(%arg9 : memref<!tpu.dma_semaphore, #tpu.memory_space<semaphore_mem>>)
    %add3A_207 = arith.constant 1280 : i32
    %add3A_208 = arith.addi %sub3A_25, %add3A_207 : i32
    "tpu.region"() ({
      %run_scoped3A = tpu.sem_alloc : memref<!tpu.dma_semaphore, #tpu.memory_space<semaphore_mem>>
      %dma_start3A_282 = arith.constant 0 : i32
      %dma_start3A_283 = tpu.memref_slice %arg4[%select_n3A, %add3A_208, %dma_start3A_282] : memref<4x16384x128xf32, #tpu.memory_space<hbm>> -> memref<1x128x128xf32, #tpu.memory_space<hbm>>
      %dma_start3A_284 = tpu.memref_squeeze %dma_start3A_283 : memref<1x128x128xf32, #tpu.memory_space<hbm>> -> memref<128x128xf32, #tpu.memory_space<hbm>>
      %dma_start3A_285 = arith.constant 0 : i32
      %dma_start3A_286 = tpu.memref_slice %arg4[%select_n3A, %add3A_208, %dma_start3A_285] : memref<4x16384x128xf32, #tpu.memory_space<hbm>> -> memref<1x128x128xf32, #tpu.memory_space<hbm>>
      %dma_start3A_287 = tpu.memref_squeeze %dma_start3A_286 : memref<1x128x128xf32, #tpu.memory_space<hbm>> -> memref<128x128xf32, #tpu.memory_space<hbm>>
      tpu.enqueue_dma source(%arg6 : memref<128x128xf32, #tpu.memory_space<vmem>>) target(%dma_start3A_287 : memref<128x128xf32, #tpu.memory_space<hbm>>) target_semaphore(%run_scoped3A : memref<!tpu.dma_semaphore, #tpu.memory_space<semaphore_mem>>)
      %dma_wait3A_288 = arith.constant 0 : i32
      %dma_wait3A_289 = tpu.memref_slice %arg4[%select_n3A, %add3A_208, %dma_wait3A_288] : memref<4x16384x128xf32, #tpu.memory_space<hbm>> -> memref<1x128x128xf32, #tpu.memory_space<hbm>>
      %dma_wait3A_290 = tpu.memref_squeeze %dma_wait3A_289 : memref<1x128x128xf32, #tpu.memory_space<hbm>> -> memref<128x128xf32, #tpu.memory_space<hbm>>
      %dma_wait3A_291 = arith.constant 0 : i32
      %dma_wait3A_292 = tpu.memref_slice %arg4[%select_n3A, %add3A_208, %dma_wait3A_291] : memref<4x16384x128xf32, #tpu.memory_space<hbm>> -> memref<1x128x128xf32, #tpu.memory_space<hbm>>
      %dma_wait3A_293 = tpu.memref_squeeze %dma_wait3A_292 : memref<1x128x128xf32, #tpu.memory_space<hbm>> -> memref<128x128xf32, #tpu.memory_space<hbm>>
      tpu.wait_dma2 semaphore(%run_scoped3A : memref<!tpu.dma_semaphore, #tpu.memory_space<semaphore_mem>>) src(%arg6 : memref<128x128xf32, #tpu.memory_space<vmem>>) dst(%dma_wait3A_293 : memref<128x128xf32, #tpu.memory_space<hbm>>)
      tpu.yield
    }) : () -> ()
    %dma_wait3A_209 = arith.constant 11 : i32
    %dma_wait3A_210 = arith.constant 0 : i32
    %dma_wait3A_211 = tpu.memref_slice %arg5[%dma_wait3A_209, %dma_wait3A_210] : memref<16x128xi32, #tpu.memory_space<vmem>> -> memref<1x128xi32, #tpu.memory_space<vmem>>
    %dma_wait3A_212 = tpu.memref_squeeze %dma_wait3A_211 : memref<1x128xi32, #tpu.memory_space<vmem>> -> memref<128xi32, #tpu.memory_space<vmem>>
    %dma_wait3A_213 = arith.constant 0 : i32
    %dma_wait3A_214 = arith.constant 0 : i32
    %dma_wait3A_215 = tpu.memref_slice %arg3[%dma_wait3A_213, %dma_wait3A_214] : memref<4096x128xf32, #tpu.memory_space<hbm>> -> memref<4096x128xf32, #tpu.memory_space<hbm>>
    tpu.wait_indirect_dma semaphore(%arg9 : memref<!tpu.dma_semaphore, #tpu.memory_space<semaphore_mem>>) src(%dma_wait3A_215 : memref<4096x128xf32, #tpu.memory_space<hbm>>) dst(%arg7 : memref<128x128xf32, #tpu.memory_space<vmem>>)
    %dma_start3A_216 = arith.constant 12 : i32
    %dma_start3A_217 = arith.constant 0 : i32
    %dma_start3A_218 = tpu.memref_slice %arg5[%dma_start3A_216, %dma_start3A_217] : memref<16x128xi32, #tpu.memory_space<vmem>> -> memref<1x128xi32, #tpu.memory_space<vmem>>
    %dma_start3A_219 = tpu.memref_squeeze %dma_start3A_218 : memref<1x128xi32, #tpu.memory_space<vmem>> -> memref<128xi32, #tpu.memory_space<vmem>>
    %dma_start3A_220 = arith.constant 0 : i32
    %dma_start3A_221 = arith.constant 0 : i32
    %dma_start3A_222 = tpu.memref_slice %arg3[%dma_start3A_220, %dma_start3A_221] : memref<4096x128xf32, #tpu.memory_space<hbm>> -> memref<4096x128xf32, #tpu.memory_space<hbm>>
    tpu.enqueue_indirect_dma source(%dma_start3A_222 : memref<4096x128xf32, #tpu.memory_space<hbm>>) target(%arg6 : memref<128x128xf32, #tpu.memory_space<vmem>>) offsets(%dma_start3A_219 : memref<128xi32, #tpu.memory_space<vmem>>) semaphore(%arg8 : memref<!tpu.dma_semaphore, #tpu.memory_space<semaphore_mem>>)
    %add3A_223 = arith.constant 1408 : i32
    %add3A_224 = arith.addi %sub3A_25, %add3A_223 : i32
    "tpu.region"() ({
      %run_scoped3A = tpu.sem_alloc : memref<!tpu.dma_semaphore, #tpu.memory_space<semaphore_mem>>
      %dma_start3A_282 = arith.constant 0 : i32
      %dma_start3A_283 = tpu.memref_slice %arg4[%select_n3A, %add3A_224, %dma_start3A_282] : memref<4x16384x128xf32, #tpu.memory_space<hbm>> -> memref<1x128x128xf32, #tpu.memory_space<hbm>>
      %dma_start3A_284 = tpu.memref_squeeze %dma_start3A_283 : memref<1x128x128xf32, #tpu.memory_space<hbm>> -> memref<128x128xf32, #tpu.memory_space<hbm>>
      %dma_start3A_285 = arith.constant 0 : i32
      %dma_start3A_286 = tpu.memref_slice %arg4[%select_n3A, %add3A_224, %dma_start3A_285] : memref<4x16384x128xf32, #tpu.memory_space<hbm>> -> memref<1x128x128xf32, #tpu.memory_space<hbm>>
      %dma_start3A_287 = tpu.memref_squeeze %dma_start3A_286 : memref<1x128x128xf32, #tpu.memory_space<hbm>> -> memref<128x128xf32, #tpu.memory_space<hbm>>
      tpu.enqueue_dma source(%arg7 : memref<128x128xf32, #tpu.memory_space<vmem>>) target(%dma_start3A_287 : memref<128x128xf32, #tpu.memory_space<hbm>>) target_semaphore(%run_scoped3A : memref<!tpu.dma_semaphore, #tpu.memory_space<semaphore_mem>>)
      %dma_wait3A_288 = arith.constant 0 : i32
      %dma_wait3A_289 = tpu.memref_slice %arg4[%select_n3A, %add3A_224, %dma_wait3A_288] : memref<4x16384x128xf32, #tpu.memory_space<hbm>> -> memref<1x128x128xf32, #tpu.memory_space<hbm>>
      %dma_wait3A_290 = tpu.memref_squeeze %dma_wait3A_289 : memref<1x128x128xf32, #tpu.memory_space<hbm>> -> memref<128x128xf32, #tpu.memory_space<hbm>>
      %dma_wait3A_291 = arith.constant 0 : i32
      %dma_wait3A_292 = tpu.memref_slice %arg4[%select_n3A, %add3A_224, %dma_wait3A_291] : memref<4x16384x128xf32, #tpu.memory_space<hbm>> -> memref<1x128x128xf32, #tpu.memory_space<hbm>>
      %dma_wait3A_293 = tpu.memref_squeeze %dma_wait3A_292 : memref<1x128x128xf32, #tpu.memory_space<hbm>> -> memref<128x128xf32, #tpu.memory_space<hbm>>
      tpu.wait_dma2 semaphore(%run_scoped3A : memref<!tpu.dma_semaphore, #tpu.memory_space<semaphore_mem>>) src(%arg7 : memref<128x128xf32, #tpu.memory_space<vmem>>) dst(%dma_wait3A_293 : memref<128x128xf32, #tpu.memory_space<hbm>>)
      tpu.yield
    }) : () -> ()
    %dma_wait3A_225 = arith.constant 12 : i32
    %dma_wait3A_226 = arith.constant 0 : i32
    %dma_wait3A_227 = tpu.memref_slice %arg5[%dma_wait3A_225, %dma_wait3A_226] : memref<16x128xi32, #tpu.memory_space<vmem>> -> memref<1x128xi32, #tpu.memory_space<vmem>>
    %dma_wait3A_228 = tpu.memref_squeeze %dma_wait3A_227 : memref<1x128xi32, #tpu.memory_space<vmem>> -> memref<128xi32, #tpu.memory_space<vmem>>
    %dma_wait3A_229 = arith.constant 0 : i32
    %dma_wait3A_230 = arith.constant 0 : i32
    %dma_wait3A_231 = tpu.memref_slice %arg3[%dma_wait3A_229, %dma_wait3A_230] : memref<4096x128xf32, #tpu.memory_space<hbm>> -> memref<4096x128xf32, #tpu.memory_space<hbm>>
    tpu.wait_indirect_dma semaphore(%arg8 : memref<!tpu.dma_semaphore, #tpu.memory_space<semaphore_mem>>) src(%dma_wait3A_231 : memref<4096x128xf32, #tpu.memory_space<hbm>>) dst(%arg6 : memref<128x128xf32, #tpu.memory_space<vmem>>)
    %dma_start3A_232 = arith.constant 13 : i32
    %dma_start3A_233 = arith.constant 0 : i32
    %dma_start3A_234 = tpu.memref_slice %arg5[%dma_start3A_232, %dma_start3A_233] : memref<16x128xi32, #tpu.memory_space<vmem>> -> memref<1x128xi32, #tpu.memory_space<vmem>>
    %dma_start3A_235 = tpu.memref_squeeze %dma_start3A_234 : memref<1x128xi32, #tpu.memory_space<vmem>> -> memref<128xi32, #tpu.memory_space<vmem>>
    %dma_start3A_236 = arith.constant 0 : i32
    %dma_start3A_237 = arith.constant 0 : i32
    %dma_start3A_238 = tpu.memref_slice %arg3[%dma_start3A_236, %dma_start3A_237] : memref<4096x128xf32, #tpu.memory_space<hbm>> -> memref<4096x128xf32, #tpu.memory_space<hbm>>
    tpu.enqueue_indirect_dma source(%dma_start3A_238 : memref<4096x128xf32, #tpu.memory_space<hbm>>) target(%arg7 : memref<128x128xf32, #tpu.memory_space<vmem>>) offsets(%dma_start3A_235 : memref<128xi32, #tpu.memory_space<vmem>>) semaphore(%arg9 : memref<!tpu.dma_semaphore, #tpu.memory_space<semaphore_mem>>)
    %add3A_239 = arith.constant 1536 : i32
    %add3A_240 = arith.addi %sub3A_25, %add3A_239 : i32
    "tpu.region"() ({
      %run_scoped3A = tpu.sem_alloc : memref<!tpu.dma_semaphore, #tpu.memory_space<semaphore_mem>>
      %dma_start3A_282 = arith.constant 0 : i32
      %dma_start3A_283 = tpu.memref_slice %arg4[%select_n3A, %add3A_240, %dma_start3A_282] : memref<4x16384x128xf32, #tpu.memory_space<hbm>> -> memref<1x128x128xf32, #tpu.memory_space<hbm>>
      %dma_start3A_284 = tpu.memref_squeeze %dma_start3A_283 : memref<1x128x128xf32, #tpu.memory_space<hbm>> -> memref<128x128xf32, #tpu.memory_space<hbm>>
      %dma_start3A_285 = arith.constant 0 : i32
      %dma_start3A_286 = tpu.memref_slice %arg4[%select_n3A, %add3A_240, %dma_start3A_285] : memref<4x16384x128xf32, #tpu.memory_space<hbm>> -> memref<1x128x128xf32, #tpu.memory_space<hbm>>
      %dma_start3A_287 = tpu.memref_squeeze %dma_start3A_286 : memref<1x128x128xf32, #tpu.memory_space<hbm>> -> memref<128x128xf32, #tpu.memory_space<hbm>>
      tpu.enqueue_dma source(%arg6 : memref<128x128xf32, #tpu.memory_space<vmem>>) target(%dma_start3A_287 : memref<128x128xf32, #tpu.memory_space<hbm>>) target_semaphore(%run_scoped3A : memref<!tpu.dma_semaphore, #tpu.memory_space<semaphore_mem>>)
      %dma_wait3A_288 = arith.constant 0 : i32
      %dma_wait3A_289 = tpu.memref_slice %arg4[%select_n3A, %add3A_240, %dma_wait3A_288] : memref<4x16384x128xf32, #tpu.memory_space<hbm>> -> memref<1x128x128xf32, #tpu.memory_space<hbm>>
      %dma_wait3A_290 = tpu.memref_squeeze %dma_wait3A_289 : memref<1x128x128xf32, #tpu.memory_space<hbm>> -> memref<128x128xf32, #tpu.memory_space<hbm>>
      %dma_wait3A_291 = arith.constant 0 : i32
      %dma_wait3A_292 = tpu.memref_slice %arg4[%select_n3A, %add3A_240, %dma_wait3A_291] : memref<4x16384x128xf32, #tpu.memory_space<hbm>> -> memref<1x128x128xf32, #tpu.memory_space<hbm>>
      %dma_wait3A_293 = tpu.memref_squeeze %dma_wait3A_292 : memref<1x128x128xf32, #tpu.memory_space<hbm>> -> memref<128x128xf32, #tpu.memory_space<hbm>>
      tpu.wait_dma2 semaphore(%run_scoped3A : memref<!tpu.dma_semaphore, #tpu.memory_space<semaphore_mem>>) src(%arg6 : memref<128x128xf32, #tpu.memory_space<vmem>>) dst(%dma_wait3A_293 : memref<128x128xf32, #tpu.memory_space<hbm>>)
      tpu.yield
    }) : () -> ()
    %dma_wait3A_241 = arith.constant 13 : i32
    %dma_wait3A_242 = arith.constant 0 : i32
    %dma_wait3A_243 = tpu.memref_slice %arg5[%dma_wait3A_241, %dma_wait3A_242] : memref<16x128xi32, #tpu.memory_space<vmem>> -> memref<1x128xi32, #tpu.memory_space<vmem>>
    %dma_wait3A_244 = tpu.memref_squeeze %dma_wait3A_243 : memref<1x128xi32, #tpu.memory_space<vmem>> -> memref<128xi32, #tpu.memory_space<vmem>>
    %dma_wait3A_245 = arith.constant 0 : i32
    %dma_wait3A_246 = arith.constant 0 : i32
    %dma_wait3A_247 = tpu.memref_slice %arg3[%dma_wait3A_245, %dma_wait3A_246] : memref<4096x128xf32, #tpu.memory_space<hbm>> -> memref<4096x128xf32, #tpu.memory_space<hbm>>
    tpu.wait_indirect_dma semaphore(%arg9 : memref<!tpu.dma_semaphore, #tpu.memory_space<semaphore_mem>>) src(%dma_wait3A_247 : memref<4096x128xf32, #tpu.memory_space<hbm>>) dst(%arg7 : memref<128x128xf32, #tpu.memory_space<vmem>>)
    %dma_start3A_248 = arith.constant 14 : i32
    %dma_start3A_249 = arith.constant 0 : i32
    %dma_start3A_250 = tpu.memref_slice %arg5[%dma_start3A_248, %dma_start3A_249] : memref<16x128xi32, #tpu.memory_space<vmem>> -> memref<1x128xi32, #tpu.memory_space<vmem>>
    %dma_start3A_251 = tpu.memref_squeeze %dma_start3A_250 : memref<1x128xi32, #tpu.memory_space<vmem>> -> memref<128xi32, #tpu.memory_space<vmem>>
    %dma_start3A_252 = arith.constant 0 : i32
    %dma_start3A_253 = arith.constant 0 : i32
    %dma_start3A_254 = tpu.memref_slice %arg3[%dma_start3A_252, %dma_start3A_253] : memref<4096x128xf32, #tpu.memory_space<hbm>> -> memref<4096x128xf32, #tpu.memory_space<hbm>>
    tpu.enqueue_indirect_dma source(%dma_start3A_254 : memref<4096x128xf32, #tpu.memory_space<hbm>>) target(%arg6 : memref<128x128xf32, #tpu.memory_space<vmem>>) offsets(%dma_start3A_251 : memref<128xi32, #tpu.memory_space<vmem>>) semaphore(%arg8 : memref<!tpu.dma_semaphore, #tpu.memory_space<semaphore_mem>>)
    %add3A_255 = arith.constant 1664 : i32
    %add3A_256 = arith.addi %sub3A_25, %add3A_255 : i32
    "tpu.region"() ({
      %run_scoped3A = tpu.sem_alloc : memref<!tpu.dma_semaphore, #tpu.memory_space<semaphore_mem>>
      %dma_start3A_282 = arith.constant 0 : i32
      %dma_start3A_283 = tpu.memref_slice %arg4[%select_n3A, %add3A_256, %dma_start3A_282] : memref<4x16384x128xf32, #tpu.memory_space<hbm>> -> memref<1x128x128xf32, #tpu.memory_space<hbm>>
      %dma_start3A_284 = tpu.memref_squeeze %dma_start3A_283 : memref<1x128x128xf32, #tpu.memory_space<hbm>> -> memref<128x128xf32, #tpu.memory_space<hbm>>
      %dma_start3A_285 = arith.constant 0 : i32
      %dma_start3A_286 = tpu.memref_slice %arg4[%select_n3A, %add3A_256, %dma_start3A_285] : memref<4x16384x128xf32, #tpu.memory_space<hbm>> -> memref<1x128x128xf32, #tpu.memory_space<hbm>>
      %dma_start3A_287 = tpu.memref_squeeze %dma_start3A_286 : memref<1x128x128xf32, #tpu.memory_space<hbm>> -> memref<128x128xf32, #tpu.memory_space<hbm>>
      tpu.enqueue_dma source(%arg7 : memref<128x128xf32, #tpu.memory_space<vmem>>) target(%dma_start3A_287 : memref<128x128xf32, #tpu.memory_space<hbm>>) target_semaphore(%run_scoped3A : memref<!tpu.dma_semaphore, #tpu.memory_space<semaphore_mem>>)
      %dma_wait3A_288 = arith.constant 0 : i32
      %dma_wait3A_289 = tpu.memref_slice %arg4[%select_n3A, %add3A_256, %dma_wait3A_288] : memref<4x16384x128xf32, #tpu.memory_space<hbm>> -> memref<1x128x128xf32, #tpu.memory_space<hbm>>
      %dma_wait3A_290 = tpu.memref_squeeze %dma_wait3A_289 : memref<1x128x128xf32, #tpu.memory_space<hbm>> -> memref<128x128xf32, #tpu.memory_space<hbm>>
      %dma_wait3A_291 = arith.constant 0 : i32
      %dma_wait3A_292 = tpu.memref_slice %arg4[%select_n3A, %add3A_256, %dma_wait3A_291] : memref<4x16384x128xf32, #tpu.memory_space<hbm>> -> memref<1x128x128xf32, #tpu.memory_space<hbm>>
      %dma_wait3A_293 = tpu.memref_squeeze %dma_wait3A_292 : memref<1x128x128xf32, #tpu.memory_space<hbm>> -> memref<128x128xf32, #tpu.memory_space<hbm>>
      tpu.wait_dma2 semaphore(%run_scoped3A : memref<!tpu.dma_semaphore, #tpu.memory_space<semaphore_mem>>) src(%arg7 : memref<128x128xf32, #tpu.memory_space<vmem>>) dst(%dma_wait3A_293 : memref<128x128xf32, #tpu.memory_space<hbm>>)
      tpu.yield
    }) : () -> ()
    %dma_wait3A_257 = arith.constant 14 : i32
    %dma_wait3A_258 = arith.constant 0 : i32
    %dma_wait3A_259 = tpu.memref_slice %arg5[%dma_wait3A_257, %dma_wait3A_258] : memref<16x128xi32, #tpu.memory_space<vmem>> -> memref<1x128xi32, #tpu.memory_space<vmem>>
    %dma_wait3A_260 = tpu.memref_squeeze %dma_wait3A_259 : memref<1x128xi32, #tpu.memory_space<vmem>> -> memref<128xi32, #tpu.memory_space<vmem>>
    %dma_wait3A_261 = arith.constant 0 : i32
    %dma_wait3A_262 = arith.constant 0 : i32
    %dma_wait3A_263 = tpu.memref_slice %arg3[%dma_wait3A_261, %dma_wait3A_262] : memref<4096x128xf32, #tpu.memory_space<hbm>> -> memref<4096x128xf32, #tpu.memory_space<hbm>>
    tpu.wait_indirect_dma semaphore(%arg8 : memref<!tpu.dma_semaphore, #tpu.memory_space<semaphore_mem>>) src(%dma_wait3A_263 : memref<4096x128xf32, #tpu.memory_space<hbm>>) dst(%arg6 : memref<128x128xf32, #tpu.memory_space<vmem>>)
    %dma_start3A_264 = arith.constant 15 : i32
    %dma_start3A_265 = arith.constant 0 : i32
    %dma_start3A_266 = tpu.memref_slice %arg5[%dma_start3A_264, %dma_start3A_265] : memref<16x128xi32, #tpu.memory_space<vmem>> -> memref<1x128xi32, #tpu.memory_space<vmem>>
    %dma_start3A_267 = tpu.memref_squeeze %dma_start3A_266 : memref<1x128xi32, #tpu.memory_space<vmem>> -> memref<128xi32, #tpu.memory_space<vmem>>
    %dma_start3A_268 = arith.constant 0 : i32
    %dma_start3A_269 = arith.constant 0 : i32
    %dma_start3A_270 = tpu.memref_slice %arg3[%dma_start3A_268, %dma_start3A_269] : memref<4096x128xf32, #tpu.memory_space<hbm>> -> memref<4096x128xf32, #tpu.memory_space<hbm>>
    tpu.enqueue_indirect_dma source(%dma_start3A_270 : memref<4096x128xf32, #tpu.memory_space<hbm>>) target(%arg7 : memref<128x128xf32, #tpu.memory_space<vmem>>) offsets(%dma_start3A_267 : memref<128xi32, #tpu.memory_space<vmem>>) semaphore(%arg9 : memref<!tpu.dma_semaphore, #tpu.memory_space<semaphore_mem>>)
    %add3A_271 = arith.constant 1792 : i32
    %add3A_272 = arith.addi %sub3A_25, %add3A_271 : i32
    "tpu.region"() ({
      %run_scoped3A = tpu.sem_alloc : memref<!tpu.dma_semaphore, #tpu.memory_space<semaphore_mem>>
      %dma_start3A_282 = arith.constant 0 : i32
      %dma_start3A_283 = tpu.memref_slice %arg4[%select_n3A, %add3A_272, %dma_start3A_282] : memref<4x16384x128xf32, #tpu.memory_space<hbm>> -> memref<1x128x128xf32, #tpu.memory_space<hbm>>
      %dma_start3A_284 = tpu.memref_squeeze %dma_start3A_283 : memref<1x128x128xf32, #tpu.memory_space<hbm>> -> memref<128x128xf32, #tpu.memory_space<hbm>>
      %dma_start3A_285 = arith.constant 0 : i32
      %dma_start3A_286 = tpu.memref_slice %arg4[%select_n3A, %add3A_272, %dma_start3A_285] : memref<4x16384x128xf32, #tpu.memory_space<hbm>> -> memref<1x128x128xf32, #tpu.memory_space<hbm>>
      %dma_start3A_287 = tpu.memref_squeeze %dma_start3A_286 : memref<1x128x128xf32, #tpu.memory_space<hbm>> -> memref<128x128xf32, #tpu.memory_space<hbm>>
      tpu.enqueue_dma source(%arg6 : memref<128x128xf32, #tpu.memory_space<vmem>>) target(%dma_start3A_287 : memref<128x128xf32, #tpu.memory_space<hbm>>) target_semaphore(%run_scoped3A : memref<!tpu.dma_semaphore, #tpu.memory_space<semaphore_mem>>)
      %dma_wait3A_288 = arith.constant 0 : i32
      %dma_wait3A_289 = tpu.memref_slice %arg4[%select_n3A, %add3A_272, %dma_wait3A_288] : memref<4x16384x128xf32, #tpu.memory_space<hbm>> -> memref<1x128x128xf32, #tpu.memory_space<hbm>>
      %dma_wait3A_290 = tpu.memref_squeeze %dma_wait3A_289 : memref<1x128x128xf32, #tpu.memory_space<hbm>> -> memref<128x128xf32, #tpu.memory_space<hbm>>
      %dma_wait3A_291 = arith.constant 0 : i32
      %dma_wait3A_292 = tpu.memref_slice %arg4[%select_n3A, %add3A_272, %dma_wait3A_291] : memref<4x16384x128xf32, #tpu.memory_space<hbm>> -> memref<1x128x128xf32, #tpu.memory_space<hbm>>
      %dma_wait3A_293 = tpu.memref_squeeze %dma_wait3A_292 : memref<1x128x128xf32, #tpu.memory_space<hbm>> -> memref<128x128xf32, #tpu.memory_space<hbm>>
      tpu.wait_dma2 semaphore(%run_scoped3A : memref<!tpu.dma_semaphore, #tpu.memory_space<semaphore_mem>>) src(%arg6 : memref<128x128xf32, #tpu.memory_space<vmem>>) dst(%dma_wait3A_293 : memref<128x128xf32, #tpu.memory_space<hbm>>)
      tpu.yield
    }) : () -> ()
    %dma_wait3A_273 = arith.constant 15 : i32
    %dma_wait3A_274 = arith.constant 0 : i32
    %dma_wait3A_275 = tpu.memref_slice %arg5[%dma_wait3A_273, %dma_wait3A_274] : memref<16x128xi32, #tpu.memory_space<vmem>> -> memref<1x128xi32, #tpu.memory_space<vmem>>
    %dma_wait3A_276 = tpu.memref_squeeze %dma_wait3A_275 : memref<1x128xi32, #tpu.memory_space<vmem>> -> memref<128xi32, #tpu.memory_space<vmem>>
    %dma_wait3A_277 = arith.constant 0 : i32
    %dma_wait3A_278 = arith.constant 0 : i32
    %dma_wait3A_279 = tpu.memref_slice %arg3[%dma_wait3A_277, %dma_wait3A_278] : memref<4096x128xf32, #tpu.memory_space<hbm>> -> memref<4096x128xf32, #tpu.memory_space<hbm>>
    tpu.wait_indirect_dma semaphore(%arg9 : memref<!tpu.dma_semaphore, #tpu.memory_space<semaphore_mem>>) src(%dma_wait3A_279 : memref<4096x128xf32, #tpu.memory_space<hbm>>) dst(%arg7 : memref<128x128xf32, #tpu.memory_space<vmem>>)
    %add3A_280 = arith.constant 1920 : i32
    %add3A_281 = arith.addi %sub3A_25, %add3A_280 : i32
    "tpu.region"() ({
      %run_scoped3A = tpu.sem_alloc : memref<!tpu.dma_semaphore, #tpu.memory_space<semaphore_mem>>
      %dma_start3A_282 = arith.constant 0 : i32
      %dma_start3A_283 = tpu.memref_slice %arg4[%select_n3A, %add3A_281, %dma_start3A_282] : memref<4x16384x128xf32, #tpu.memory_space<hbm>> -> memref<1x128x128xf32, #tpu.memory_space<hbm>>
      %dma_start3A_284 = tpu.memref_squeeze %dma_start3A_283 : memref<1x128x128xf32, #tpu.memory_space<hbm>> -> memref<128x128xf32, #tpu.memory_space<hbm>>
      %dma_start3A_285 = arith.constant 0 : i32
      %dma_start3A_286 = tpu.memref_slice %arg4[%select_n3A, %add3A_281, %dma_start3A_285] : memref<4x16384x128xf32, #tpu.memory_space<hbm>> -> memref<1x128x128xf32, #tpu.memory_space<hbm>>
      %dma_start3A_287 = tpu.memref_squeeze %dma_start3A_286 : memref<1x128x128xf32, #tpu.memory_space<hbm>> -> memref<128x128xf32, #tpu.memory_space<hbm>>
      tpu.enqueue_dma source(%arg7 : memref<128x128xf32, #tpu.memory_space<vmem>>) target(%dma_start3A_287 : memref<128x128xf32, #tpu.memory_space<hbm>>) target_semaphore(%run_scoped3A : memref<!tpu.dma_semaphore, #tpu.memory_space<semaphore_mem>>)
      %dma_wait3A_288 = arith.constant 0 : i32
      %dma_wait3A_289 = tpu.memref_slice %arg4[%select_n3A, %add3A_281, %dma_wait3A_288] : memref<4x16384x128xf32, #tpu.memory_space<hbm>> -> memref<1x128x128xf32, #tpu.memory_space<hbm>>
      %dma_wait3A_290 = tpu.memref_squeeze %dma_wait3A_289 : memref<1x128x128xf32, #tpu.memory_space<hbm>> -> memref<128x128xf32, #tpu.memory_space<hbm>>
      %dma_wait3A_291 = arith.constant 0 : i32
      %dma_wait3A_292 = tpu.memref_slice %arg4[%select_n3A, %add3A_281, %dma_wait3A_291] : memref<4x16384x128xf32, #tpu.memory_space<hbm>> -> memref<1x128x128xf32, #tpu.memory_space<hbm>>
      %dma_wait3A_293 = tpu.memref_squeeze %dma_wait3A_292 : memref<1x128x128xf32, #tpu.memory_space<hbm>> -> memref<128x128xf32, #tpu.memory_space<hbm>>
      tpu.wait_dma2 semaphore(%run_scoped3A : memref<!tpu.dma_semaphore, #tpu.memory_space<semaphore_mem>>) src(%arg7 : memref<128x128xf32, #tpu.memory_space<vmem>>) dst(%dma_wait3A_293 : memref<128x128xf32, #tpu.memory_space<hbm>>)
      tpu.yield
    }) : () -> ()
    return
  }
}

module attributes {stable_mosaic.version = 14 : i64} {
  func.func @_tc_body(%arg0: i32, %arg1: memref<1024x256xf32, #tpu.memory_space<vmem>>, %arg2: memref<4x1024x64xf32, #tpu.memory_space<vmem>>, %arg3: memref<4x1x1024xf32, #tpu.memory_space<vmem>>, %arg4: memref<4x1x1x1024xi32, #tpu.memory_space<vmem>>, %arg5: memref<4x1x1x1024xi32, #tpu.memory_space<vmem>>, %arg6: memref<4x1x1024xf32, #tpu.memory_space<vmem>>, %arg7: memref<1x1xf32, #tpu.memory_space<smem>>, %arg8: memref<1xf32, #tpu.memory_space<smem>>) attributes {dimension_semantics = [#tpu.dimension_semantics<arbitrary>], iteration_bounds = array<i64: 16>, scalar_prefetch = 0 : i64, scratch_operands = 1 : i64, tpu.core_type = #tpu.core_type<tc>, window_params = [{transform_indices = @transform_0, window_bounds = array<i64: 1024, 256>}, {pipeline_mode = #tpu.pipeline_mode<synchronous>, transform_indices = @transform_1, window_bounds = array<i64: 4, 1024, 64>}, {pipeline_mode = #tpu.pipeline_mode<synchronous>, transform_indices = @transform_2, window_bounds = array<i64: 4, 1, 1024>}, {transform_indices = @transform_3, window_bounds = array<i64: 4, 1, 1, 1024>}, {transform_indices = @transform_4, window_bounds = array<i64: 4, 1, 1, 1024>}, {pipeline_mode = #tpu.pipeline_mode<synchronous>, transform_indices = @transform_5, window_bounds = array<i64: 4, 1, 1024>}, {transform_indices = @transform_6, window_bounds = array<i64: 1, 1>}]} {
    %iota3A = tpu.iota {dimensions = array<i32: 1>} : vector<1024x1024xi32>
    %convert_element_type3A = arith.sitofp %iota3A : vector<1024x1024xi32> to vector<1024x1024xf32>
    %get3A = arith.constant 0 : index
    %get3A_0 = arith.constant 0 : index
    %get3A_1 = vector.load %arg1[%get3A, %get3A_0] : memref<1024x256xf32, #tpu.memory_space<vmem>>, vector<1024x64xf32>
    %get3A_2 = arith.constant 0 : index
    %get3A_3 = arith.constant 0 : index
    %get3A_4 = arith.constant 0 : index
    %get3A_5 = vector.load %arg2[%get3A_2, %get3A_3, %get3A_4] : memref<4x1024x64xf32, #tpu.memory_space<vmem>>, vector<1x1024x64xf32>
    %get3A_6 = vector.shape_cast %get3A_5 : vector<1x1024x64xf32> to vector<1024x64xf32>
    %mul3A = arith.mulf %get3A_1, %get3A_1 : vector<1024x64xf32>
    %reduce_sum3A = arith.constant dense<0.000000e+00> : vector<1024xf32>
    %reduce_sum3A_7 = vector.multi_reduction <add>, %mul3A, %reduce_sum3A [1] : vector<1024x64xf32> to vector<1024xf32>
    %broadcast_in_dim3A = vector.shape_cast %reduce_sum3A_7 : vector<1024xf32> to vector<1024x1xf32>
    %mul3A_8 = arith.mulf %get3A_6, %get3A_6 : vector<1024x64xf32>
    %reduce_sum3A_9 = arith.constant dense<0.000000e+00> : vector<1024xf32>
    %reduce_sum3A_10 = vector.multi_reduction <add>, %mul3A_8, %reduce_sum3A_9 [1] : vector<1024x64xf32> to vector<1024xf32>
    %broadcast_in_dim3A_11 = vector.shape_cast %reduce_sum3A_10 : vector<1024xf32> to vector<1x1024xf32>
    %dot_general3A = arith.constant dense<0.000000e+00> : vector<1024x1024xf32>
    %dot_general3A_12 = tpu.matmul %get3A_1, %get3A_6, %dot_general3A {dimension_numbers = #tpu.dot_dimension_numbers<[1], [1], [0], [0], [0, 0, 1, 0], [], []>, transpose_lhs_hint = false} : vector<1024x64xf32>, vector<1024x64xf32>, vector<1024x1024xf32> -> vector<1024x1024xf32>
    %mul3A_13 = arith.constant 2.000000e+00 : f32
    %mul3A_14 = vector.broadcast %mul3A_13 : f32 to vector<1024x1024xf32>
    %mul3A_15 = arith.mulf %mul3A_14, %dot_general3A_12 : vector<1024x1024xf32>
    %sub3A = vector.broadcast %broadcast_in_dim3A : vector<1024x1xf32> to vector<1024x1024xf32>
    %sub3A_16 = arith.subf %sub3A, %mul3A_15 : vector<1024x1024xf32>
    %add3A = vector.broadcast %broadcast_in_dim3A_11 : vector<1x1024xf32> to vector<1024x1024xf32>
    %add3A_17 = arith.addf %sub3A_16, %add3A : vector<1024x1024xf32>
    %reduce_min3A = arith.constant dense<0x7F800000> : vector<1024xf32>
    %reduce_min3A_18 = vector.multi_reduction <minimumf>, %add3A_17, %reduce_min3A [1] : vector<1024x1024xf32> to vector<1024xf32>
    %broadcast_in_dim3A_19 = vector.shape_cast %reduce_min3A_18 : vector<1024xf32> to vector<1024x1xf32>
    %eq3A = vector.broadcast %broadcast_in_dim3A_19 : vector<1024x1xf32> to vector<1024x1024xf32>
    %eq3A_20 = arith.cmpf oeq, %add3A_17, %eq3A : vector<1024x1024xf32>
    %jit3A = arith.constant 1.024000e+03 : f32
    %broadcast_in_dim3A_21 = vector.broadcast %jit3A : f32 to vector<1024x1024xf32>
    %select_n3A = arith.select %eq3A_20, %convert_element_type3A, %broadcast_in_dim3A_21 : vector<1024x1024xi1>, vector<1024x1024xf32>
    %reduce_min3A_22 = arith.constant dense<0x7F800000> : vector<1024xf32>
    %reduce_min3A_23 = vector.multi_reduction <minimumf>, %select_n3A, %reduce_min3A_22 [1] : vector<1024x1024xf32> to vector<1024xf32>
    %convert_element_type3A_24 = arith.fptosi %reduce_min3A_23 : vector<1024xf32> to vector<1024xi32>
    %swap3A = arith.constant 0 : index
    %swap3A_25 = arith.constant 0 : index
    %swap3A_26 = arith.constant 0 : index
    %swap3A_27 = arith.constant 0 : index
    %swap3A_28 = vector.load %arg4[%swap3A, %swap3A_25, %swap3A_26, %swap3A_27] : memref<4x1x1x1024xi32, #tpu.memory_space<vmem>>, vector<1x1x1x1024xi32>
    %swap3A_29 = vector.shape_cast %swap3A_28 : vector<1x1x1x1024xi32> to vector<1024xi32>
    %swap3A_30 = vector.shape_cast %convert_element_type3A_24 : vector<1024xi32> to vector<1x1x1x1024xi32>
    tpu.vector_store %arg4[%swap3A, %swap3A_25, %swap3A_26, %swap3A_27], %swap3A_30 {strides = array<i32>} : memref<4x1x1x1024xi32, #tpu.memory_space<vmem>>, vector<1x1x1x1024xi32>,
    %add3A_31 = arith.constant 0 : i32
    %add3A_32 = vector.broadcast %add3A_31 : i32 to vector<1024xi32>
    %add3A_33 = arith.addi %convert_element_type3A_24, %add3A_32 : vector<1024xi32>
    %swap3A_34 = arith.constant 0 : index
    %swap3A_35 = arith.constant 0 : index
    %swap3A_36 = arith.constant 0 : index
    %swap3A_37 = arith.constant 0 : index
    %swap3A_38 = vector.load %arg5[%swap3A_34, %swap3A_35, %swap3A_36, %swap3A_37] : memref<4x1x1x1024xi32, #tpu.memory_space<vmem>>, vector<1x1x1x1024xi32>
    %swap3A_39 = vector.shape_cast %swap3A_38 : vector<1x1x1x1024xi32> to vector<1024xi32>
    %swap3A_40 = vector.shape_cast %add3A_33 : vector<1024xi32> to vector<1x1x1x1024xi32>
    tpu.vector_store %arg5[%swap3A_34, %swap3A_35, %swap3A_36, %swap3A_37], %swap3A_40 {strides = array<i32>} : memref<4x1x1x1024xi32, #tpu.memory_space<vmem>>, vector<1x1x1x1024xi32>,
    %convert_element_type3A_41 = arith.extui %eq3A_20 : vector<1024x1024xi1> to vector<1024x1024xi32>
    %convert_element_type3A_42 = arith.sitofp %convert_element_type3A_41 : vector<1024x1024xi32> to vector<1024x1024xf32>
    %reduce_sum3A_43 = arith.constant dense<0.000000e+00> : vector<1024xf32>
    %reduce_sum3A_44 = vector.multi_reduction <add>, %convert_element_type3A_42, %reduce_sum3A_43 [0] : vector<1024x1024xf32> to vector<1024xf32>
    %reduce_sum3A_45 = vector.shape_cast %broadcast_in_dim3A_19 : vector<1024x1xf32> to vector<1x1024x1xf32>
    %reduce_sum3A_46 = arith.constant dense<0.000000e+00> : vector<1xf32>
    %reduce_sum3A_47 = vector.multi_reduction <add>, %reduce_sum3A_45, %reduce_sum3A_46 [1, 2] : vector<1x1024x1xf32> to vector<1xf32>
    %reduce_sum3A_48 = vector.shape_cast %reduce_sum3A_47 : vector<1xf32> to vector<1x1x1xf32>
    %reduce_sum3A_49 = vector.extract %reduce_sum3A_48[0, 0, 0] : f32 from vector<1x1x1xf32>
    %add3A_50 = arith.constant 0.000000e+00 : f32
    %add3A_51 = arith.addf %add3A_50, %reduce_sum3A_49 : f32
    %eq3A_52 = arith.constant 0 : i32
    %eq3A_53 = arith.cmpi eq, %arg0, %eq3A_52 : i32
    %convert_element_type3A_54 = arith.extui %eq3A_53 : i1 to i32
    %cond3A = arith.constant 0 : i32
    %cond3A_55 = arith.cmpi ne, %convert_element_type3A_54, %cond3A : i32
    scf.if %cond3A_55 {
      %swap3A_314 = arith.constant 0 : index
      %swap3A_315 = arith.constant 0 : index
      %swap3A_316 = arith.constant 0 : index
      %swap3A_317 = vector.load %arg6[%swap3A_314, %swap3A_315, %swap3A_316] : memref<4x1x1024xf32, #tpu.memory_space<vmem>>, vector<1x1x1024xf32>
      %swap3A_318 = vector.shape_cast %swap3A_317 : vector<1x1x1024xf32> to vector<1024xf32>
      %swap3A_319 = vector.shape_cast %reduce_sum3A_44 : vector<1024xf32> to vector<1x1x1024xf32>
      tpu.vector_store %arg6[%swap3A_314, %swap3A_315, %swap3A_316], %swap3A_319 {strides = array<i32>} : memref<4x1x1024xf32, #tpu.memory_space<vmem>>, vector<1x1x1024xf32>,
    } else {
    }
    %gt3A = arith.constant 0 : i32
    %gt3A_56 = arith.cmpi sgt, %arg0, %gt3A : i32
    %convert_element_type3A_57 = arith.extui %gt3A_56 : i1 to i32
    %cond3A_58 = arith.constant 0 : i32
    %cond3A_59 = arith.cmpi ne, %convert_element_type3A_57, %cond3A_58 : i32
    scf.if %cond3A_59 {
      %get3A_314 = arith.constant 0 : index
      %get3A_315 = arith.constant 0 : index
      %get3A_316 = arith.constant 0 : index
      %get3A_317 = vector.load %arg6[%get3A_314, %get3A_315, %get3A_316] : memref<4x1x1024xf32, #tpu.memory_space<vmem>>, vector<1x1x1024xf32>
      %get3A_318 = vector.shape_cast %get3A_317 : vector<1x1x1024xf32> to vector<1024xf32>
      %add3A_319 = arith.addf %get3A_318, %reduce_sum3A_44 : vector<1024xf32>
      %swap3A_320 = arith.constant 0 : index
      %swap3A_321 = arith.constant 0 : index
      %swap3A_322 = arith.constant 0 : index
      %swap3A_323 = vector.load %arg6[%swap3A_320, %swap3A_321, %swap3A_322] : memref<4x1x1024xf32, #tpu.memory_space<vmem>>, vector<1x1x1024xf32>
      %swap3A_324 = vector.shape_cast %swap3A_323 : vector<1x1x1024xf32> to vector<1024xf32>
      %swap3A_325 = vector.shape_cast %add3A_319 : vector<1024xf32> to vector<1x1x1024xf32>
      tpu.vector_store %arg6[%swap3A_320, %swap3A_321, %swap3A_322], %swap3A_325 {strides = array<i32>} : memref<4x1x1024xf32, #tpu.memory_space<vmem>>, vector<1x1x1024xf32>,
    } else {
    }
    %eq3A_60 = arith.constant 15 : i32
    %eq3A_61 = arith.cmpi eq, %arg0, %eq3A_60 : i32
    %convert_element_type3A_62 = arith.extui %eq3A_61 : i1 to i32
    %cond3A_63 = arith.constant 0 : i32
    %cond3A_64 = arith.cmpi ne, %convert_element_type3A_62, %cond3A_63 : i32
    scf.if %cond3A_64 {
      %get3A_314 = arith.constant 0 : index
      %get3A_315 = arith.constant 0 : index
      %get3A_316 = arith.constant 0 : index
      %get3A_317 = vector.load %arg3[%get3A_314, %get3A_315, %get3A_316] : memref<4x1x1024xf32, #tpu.memory_space<vmem>>, vector<1x1x1024xf32>
      %get3A_318 = vector.shape_cast %get3A_317 : vector<1x1x1024xf32> to vector<1024xf32>
      %mul3A_319 = arith.constant 9.900000e-01 : f32
      %mul3A_320 = vector.broadcast %mul3A_319 : f32 to vector<1024xf32>
      %mul3A_321 = arith.mulf %mul3A_320, %get3A_318 : vector<1024xf32>
      %get3A_322 = arith.constant 0 : index
      %get3A_323 = arith.constant 0 : index
      %get3A_324 = arith.constant 0 : index
      %get3A_325 = vector.load %arg6[%get3A_322, %get3A_323, %get3A_324] : memref<4x1x1024xf32, #tpu.memory_space<vmem>>, vector<1x1x1024xf32>
      %get3A_326 = vector.shape_cast %get3A_325 : vector<1x1x1024xf32> to vector<1024xf32>
      %mul3A_327 = arith.constant 0.00999999977 : f32
      %mul3A_328 = vector.broadcast %mul3A_327 : f32 to vector<1024xf32>
      %mul3A_329 = arith.mulf %mul3A_328, %get3A_326 : vector<1024xf32>
      %add3A_330 = arith.addf %mul3A_321, %mul3A_329 : vector<1024xf32>
      %swap3A_331 = arith.constant 0 : index
      %swap3A_332 = arith.constant 0 : index
      %swap3A_333 = arith.constant 0 : index
      %swap3A_334 = vector.load %arg6[%swap3A_331, %swap3A_332, %swap3A_333] : memref<4x1x1024xf32, #tpu.memory_space<vmem>>, vector<1x1x1024xf32>
      %swap3A_335 = vector.shape_cast %swap3A_334 : vector<1x1x1024xf32> to vector<1024xf32>
      %swap3A_336 = vector.shape_cast %add3A_330 : vector<1024xf32> to vector<1x1x1024xf32>
      tpu.vector_store %arg6[%swap3A_331, %swap3A_332, %swap3A_333], %swap3A_336 {strides = array<i32>} : memref<4x1x1024xf32, #tpu.memory_space<vmem>>, vector<1x1x1024xf32>,
    } else {
    }
    %get3A_65 = arith.constant 0 : index
    %get3A_66 = arith.constant 64 : index
    %get3A_67 = vector.load %arg1[%get3A_65, %get3A_66] : memref<1024x256xf32, #tpu.memory_space<vmem>>, vector<1024x64xf32>
    %get3A_68 = arith.constant 1 : index
    %get3A_69 = arith.constant 0 : index
    %get3A_70 = arith.constant 0 : index
    %get3A_71 = vector.load %arg2[%get3A_68, %get3A_69, %get3A_70] : memref<4x1024x64xf32, #tpu.memory_space<vmem>>, vector<1x1024x64xf32>
    %get3A_72 = vector.shape_cast %get3A_71 : vector<1x1024x64xf32> to vector<1024x64xf32>
    %mul3A_73 = arith.mulf %get3A_67, %get3A_67 : vector<1024x64xf32>
    %reduce_sum3A_74 = arith.constant dense<0.000000e+00> : vector<1024xf32>
    %reduce_sum3A_75 = vector.multi_reduction <add>, %mul3A_73, %reduce_sum3A_74 [1] : vector<1024x64xf32> to vector<1024xf32>
    %broadcast_in_dim3A_76 = vector.shape_cast %reduce_sum3A_75 : vector<1024xf32> to vector<1024x1xf32>
    %mul3A_77 = arith.mulf %get3A_72, %get3A_72 : vector<1024x64xf32>
    %reduce_sum3A_78 = arith.constant dense<0.000000e+00> : vector<1024xf32>
    %reduce_sum3A_79 = vector.multi_reduction <add>, %mul3A_77, %reduce_sum3A_78 [1] : vector<1024x64xf32> to vector<1024xf32>
    %broadcast_in_dim3A_80 = vector.shape_cast %reduce_sum3A_79 : vector<1024xf32> to vector<1x1024xf32>
    %dot_general3A_81 = arith.constant dense<0.000000e+00> : vector<1024x1024xf32>
    %dot_general3A_82 = tpu.matmul %get3A_67, %get3A_72, %dot_general3A_81 {dimension_numbers = #tpu.dot_dimension_numbers<[1], [1], [0], [0], [0, 0, 1, 0], [], []>, transpose_lhs_hint = false} : vector<1024x64xf32>, vector<1024x64xf32>, vector<1024x1024xf32> -> vector<1024x1024xf32>
    %mul3A_83 = arith.constant 2.000000e+00 : f32
    %mul3A_84 = vector.broadcast %mul3A_83 : f32 to vector<1024x1024xf32>
    %mul3A_85 = arith.mulf %mul3A_84, %dot_general3A_82 : vector<1024x1024xf32>
    %sub3A_86 = vector.broadcast %broadcast_in_dim3A_76 : vector<1024x1xf32> to vector<1024x1024xf32>
    %sub3A_87 = arith.subf %sub3A_86, %mul3A_85 : vector<1024x1024xf32>
    %add3A_88 = vector.broadcast %broadcast_in_dim3A_80 : vector<1x1024xf32> to vector<1024x1024xf32>
    %add3A_89 = arith.addf %sub3A_87, %add3A_88 : vector<1024x1024xf32>
    %reduce_min3A_90 = arith.constant dense<0x7F800000> : vector<1024xf32>
    %reduce_min3A_91 = vector.multi_reduction <minimumf>, %add3A_89, %reduce_min3A_90 [1] : vector<1024x1024xf32> to vector<1024xf32>
    %broadcast_in_dim3A_92 = vector.shape_cast %reduce_min3A_91 : vector<1024xf32> to vector<1024x1xf32>
    %eq3A_93 = vector.broadcast %broadcast_in_dim3A_92 : vector<1024x1xf32> to vector<1024x1024xf32>
    %eq3A_94 = arith.cmpf oeq, %add3A_89, %eq3A_93 : vector<1024x1024xf32>
    %jit3A_95 = arith.constant 1.024000e+03 : f32
    %broadcast_in_dim3A_96 = vector.broadcast %jit3A_95 : f32 to vector<1024x1024xf32>
    %select_n3A_97 = arith.select %eq3A_94, %convert_element_type3A, %broadcast_in_dim3A_96 : vector<1024x1024xi1>, vector<1024x1024xf32>
    %reduce_min3A_98 = arith.constant dense<0x7F800000> : vector<1024xf32>
    %reduce_min3A_99 = vector.multi_reduction <minimumf>, %select_n3A_97, %reduce_min3A_98 [1] : vector<1024x1024xf32> to vector<1024xf32>
    %convert_element_type3A_100 = arith.fptosi %reduce_min3A_99 : vector<1024xf32> to vector<1024xi32>
    %swap3A_101 = arith.constant 1 : index
    %swap3A_102 = arith.constant 0 : index
    %swap3A_103 = arith.constant 0 : index
    %swap3A_104 = arith.constant 0 : index
    %swap3A_105 = vector.load %arg4[%swap3A_101, %swap3A_102, %swap3A_103, %swap3A_104] : memref<4x1x1x1024xi32, #tpu.memory_space<vmem>>, vector<1x1x1x1024xi32>
    %swap3A_106 = vector.shape_cast %swap3A_105 : vector<1x1x1x1024xi32> to vector<1024xi32>
    %swap3A_107 = vector.shape_cast %convert_element_type3A_100 : vector<1024xi32> to vector<1x1x1x1024xi32>
    tpu.vector_store %arg4[%swap3A_101, %swap3A_102, %swap3A_103, %swap3A_104], %swap3A_107 {strides = array<i32>} : memref<4x1x1x1024xi32, #tpu.memory_space<vmem>>, vector<1x1x1x1024xi32>,
    %add3A_108 = arith.constant 1024 : i32
    %add3A_109 = vector.broadcast %add3A_108 : i32 to vector<1024xi32>
    %add3A_110 = arith.addi %convert_element_type3A_100, %add3A_109 : vector<1024xi32>
    %swap3A_111 = arith.constant 1 : index
    %swap3A_112 = arith.constant 0 : index
    %swap3A_113 = arith.constant 0 : index
    %swap3A_114 = arith.constant 0 : index
    %swap3A_115 = vector.load %arg5[%swap3A_111, %swap3A_112, %swap3A_113, %swap3A_114] : memref<4x1x1x1024xi32, #tpu.memory_space<vmem>>, vector<1x1x1x1024xi32>
    %swap3A_116 = vector.shape_cast %swap3A_115 : vector<1x1x1x1024xi32> to vector<1024xi32>
    %swap3A_117 = vector.shape_cast %add3A_110 : vector<1024xi32> to vector<1x1x1x1024xi32>
    tpu.vector_store %arg5[%swap3A_111, %swap3A_112, %swap3A_113, %swap3A_114], %swap3A_117 {strides = array<i32>} : memref<4x1x1x1024xi32, #tpu.memory_space<vmem>>, vector<1x1x1x1024xi32>,
    %convert_element_type3A_118 = arith.extui %eq3A_94 : vector<1024x1024xi1> to vector<1024x1024xi32>
    %convert_element_type3A_119 = arith.sitofp %convert_element_type3A_118 : vector<1024x1024xi32> to vector<1024x1024xf32>
    %reduce_sum3A_120 = arith.constant dense<0.000000e+00> : vector<1024xf32>
    %reduce_sum3A_121 = vector.multi_reduction <add>, %convert_element_type3A_119, %reduce_sum3A_120 [0] : vector<1024x1024xf32> to vector<1024xf32>
    %reduce_sum3A_122 = vector.shape_cast %broadcast_in_dim3A_92 : vector<1024x1xf32> to vector<1x1024x1xf32>
    %reduce_sum3A_123 = arith.constant dense<0.000000e+00> : vector<1xf32>
    %reduce_sum3A_124 = vector.multi_reduction <add>, %reduce_sum3A_122, %reduce_sum3A_123 [1, 2] : vector<1x1024x1xf32> to vector<1xf32>
    %reduce_sum3A_125 = vector.shape_cast %reduce_sum3A_124 : vector<1xf32> to vector<1x1x1xf32>
    %reduce_sum3A_126 = vector.extract %reduce_sum3A_125[0, 0, 0] : f32 from vector<1x1x1xf32>
    %add3A_127 = arith.addf %add3A_51, %reduce_sum3A_126 : f32
    %eq3A_128 = arith.constant 0 : i32
    %eq3A_129 = arith.cmpi eq, %arg0, %eq3A_128 : i32
    %convert_element_type3A_130 = arith.extui %eq3A_129 : i1 to i32
    %cond3A_131 = arith.constant 0 : i32
    %cond3A_132 = arith.cmpi ne, %convert_element_type3A_130, %cond3A_131 : i32
    scf.if %cond3A_132 {
      %swap3A_314 = arith.constant 1 : index
      %swap3A_315 = arith.constant 0 : index
      %swap3A_316 = arith.constant 0 : index
      %swap3A_317 = vector.load %arg6[%swap3A_314, %swap3A_315, %swap3A_316] : memref<4x1x1024xf32, #tpu.memory_space<vmem>>, vector<1x1x1024xf32>
      %swap3A_318 = vector.shape_cast %swap3A_317 : vector<1x1x1024xf32> to vector<1024xf32>
      %swap3A_319 = vector.shape_cast %reduce_sum3A_121 : vector<1024xf32> to vector<1x1x1024xf32>
      tpu.vector_store %arg6[%swap3A_314, %swap3A_315, %swap3A_316], %swap3A_319 {strides = array<i32>} : memref<4x1x1024xf32, #tpu.memory_space<vmem>>, vector<1x1x1024xf32>,
    } else {
    }
    %gt3A_133 = arith.constant 0 : i32
    %gt3A_134 = arith.cmpi sgt, %arg0, %gt3A_133 : i32
    %convert_element_type3A_135 = arith.extui %gt3A_134 : i1 to i32
    %cond3A_136 = arith.constant 0 : i32
    %cond3A_137 = arith.cmpi ne, %convert_element_type3A_135, %cond3A_136 : i32
    scf.if %cond3A_137 {
      %get3A_314 = arith.constant 1 : index
      %get3A_315 = arith.constant 0 : index
      %get3A_316 = arith.constant 0 : index
      %get3A_317 = vector.load %arg6[%get3A_314, %get3A_315, %get3A_316] : memref<4x1x1024xf32, #tpu.memory_space<vmem>>, vector<1x1x1024xf32>
      %get3A_318 = vector.shape_cast %get3A_317 : vector<1x1x1024xf32> to vector<1024xf32>
      %add3A_319 = arith.addf %get3A_318, %reduce_sum3A_121 : vector<1024xf32>
      %swap3A_320 = arith.constant 1 : index
      %swap3A_321 = arith.constant 0 : index
      %swap3A_322 = arith.constant 0 : index
      %swap3A_323 = vector.load %arg6[%swap3A_320, %swap3A_321, %swap3A_322] : memref<4x1x1024xf32, #tpu.memory_space<vmem>>, vector<1x1x1024xf32>
      %swap3A_324 = vector.shape_cast %swap3A_323 : vector<1x1x1024xf32> to vector<1024xf32>
      %swap3A_325 = vector.shape_cast %add3A_319 : vector<1024xf32> to vector<1x1x1024xf32>
      tpu.vector_store %arg6[%swap3A_320, %swap3A_321, %swap3A_322], %swap3A_325 {strides = array<i32>} : memref<4x1x1024xf32, #tpu.memory_space<vmem>>, vector<1x1x1024xf32>,
    } else {
    }
    %eq3A_138 = arith.constant 15 : i32
    %eq3A_139 = arith.cmpi eq, %arg0, %eq3A_138 : i32
    %convert_element_type3A_140 = arith.extui %eq3A_139 : i1 to i32
    %cond3A_141 = arith.constant 0 : i32
    %cond3A_142 = arith.cmpi ne, %convert_element_type3A_140, %cond3A_141 : i32
    scf.if %cond3A_142 {
      %get3A_314 = arith.constant 1 : index
      %get3A_315 = arith.constant 0 : index
      %get3A_316 = arith.constant 0 : index
      %get3A_317 = vector.load %arg3[%get3A_314, %get3A_315, %get3A_316] : memref<4x1x1024xf32, #tpu.memory_space<vmem>>, vector<1x1x1024xf32>
      %get3A_318 = vector.shape_cast %get3A_317 : vector<1x1x1024xf32> to vector<1024xf32>
      %mul3A_319 = arith.constant 9.900000e-01 : f32
      %mul3A_320 = vector.broadcast %mul3A_319 : f32 to vector<1024xf32>
      %mul3A_321 = arith.mulf %mul3A_320, %get3A_318 : vector<1024xf32>
      %get3A_322 = arith.constant 1 : index
      %get3A_323 = arith.constant 0 : index
      %get3A_324 = arith.constant 0 : index
      %get3A_325 = vector.load %arg6[%get3A_322, %get3A_323, %get3A_324] : memref<4x1x1024xf32, #tpu.memory_space<vmem>>, vector<1x1x1024xf32>
      %get3A_326 = vector.shape_cast %get3A_325 : vector<1x1x1024xf32> to vector<1024xf32>
      %mul3A_327 = arith.constant 0.00999999977 : f32
      %mul3A_328 = vector.broadcast %mul3A_327 : f32 to vector<1024xf32>
      %mul3A_329 = arith.mulf %mul3A_328, %get3A_326 : vector<1024xf32>
      %add3A_330 = arith.addf %mul3A_321, %mul3A_329 : vector<1024xf32>
      %swap3A_331 = arith.constant 1 : index
      %swap3A_332 = arith.constant 0 : index
      %swap3A_333 = arith.constant 0 : index
      %swap3A_334 = vector.load %arg6[%swap3A_331, %swap3A_332, %swap3A_333] : memref<4x1x1024xf32, #tpu.memory_space<vmem>>, vector<1x1x1024xf32>
      %swap3A_335 = vector.shape_cast %swap3A_334 : vector<1x1x1024xf32> to vector<1024xf32>
      %swap3A_336 = vector.shape_cast %add3A_330 : vector<1024xf32> to vector<1x1x1024xf32>
      tpu.vector_store %arg6[%swap3A_331, %swap3A_332, %swap3A_333], %swap3A_336 {strides = array<i32>} : memref<4x1x1024xf32, #tpu.memory_space<vmem>>, vector<1x1x1024xf32>,
    } else {
    }
    %get3A_143 = arith.constant 0 : index
    %get3A_144 = arith.constant 128 : index
    %get3A_145 = vector.load %arg1[%get3A_143, %get3A_144] : memref<1024x256xf32, #tpu.memory_space<vmem>>, vector<1024x64xf32>
    %get3A_146 = arith.constant 2 : index
    %get3A_147 = arith.constant 0 : index
    %get3A_148 = arith.constant 0 : index
    %get3A_149 = vector.load %arg2[%get3A_146, %get3A_147, %get3A_148] : memref<4x1024x64xf32, #tpu.memory_space<vmem>>, vector<1x1024x64xf32>
    %get3A_150 = vector.shape_cast %get3A_149 : vector<1x1024x64xf32> to vector<1024x64xf32>
    %mul3A_151 = arith.mulf %get3A_145, %get3A_145 : vector<1024x64xf32>
    %reduce_sum3A_152 = arith.constant dense<0.000000e+00> : vector<1024xf32>
    %reduce_sum3A_153 = vector.multi_reduction <add>, %mul3A_151, %reduce_sum3A_152 [1] : vector<1024x64xf32> to vector<1024xf32>
    %broadcast_in_dim3A_154 = vector.shape_cast %reduce_sum3A_153 : vector<1024xf32> to vector<1024x1xf32>
    %mul3A_155 = arith.mulf %get3A_150, %get3A_150 : vector<1024x64xf32>
    %reduce_sum3A_156 = arith.constant dense<0.000000e+00> : vector<1024xf32>
    %reduce_sum3A_157 = vector.multi_reduction <add>, %mul3A_155, %reduce_sum3A_156 [1] : vector<1024x64xf32> to vector<1024xf32>
    %broadcast_in_dim3A_158 = vector.shape_cast %reduce_sum3A_157 : vector<1024xf32> to vector<1x1024xf32>
    %dot_general3A_159 = arith.constant dense<0.000000e+00> : vector<1024x1024xf32>
    %dot_general3A_160 = tpu.matmul %get3A_145, %get3A_150, %dot_general3A_159 {dimension_numbers = #tpu.dot_dimension_numbers<[1], [1], [0], [0], [0, 0, 1, 0], [], []>, transpose_lhs_hint = false} : vector<1024x64xf32>, vector<1024x64xf32>, vector<1024x1024xf32> -> vector<1024x1024xf32>
    %mul3A_161 = arith.constant 2.000000e+00 : f32
    %mul3A_162 = vector.broadcast %mul3A_161 : f32 to vector<1024x1024xf32>
    %mul3A_163 = arith.mulf %mul3A_162, %dot_general3A_160 : vector<1024x1024xf32>
    %sub3A_164 = vector.broadcast %broadcast_in_dim3A_154 : vector<1024x1xf32> to vector<1024x1024xf32>
    %sub3A_165 = arith.subf %sub3A_164, %mul3A_163 : vector<1024x1024xf32>
    %add3A_166 = vector.broadcast %broadcast_in_dim3A_158 : vector<1x1024xf32> to vector<1024x1024xf32>
    %add3A_167 = arith.addf %sub3A_165, %add3A_166 : vector<1024x1024xf32>
    %reduce_min3A_168 = arith.constant dense<0x7F800000> : vector<1024xf32>
    %reduce_min3A_169 = vector.multi_reduction <minimumf>, %add3A_167, %reduce_min3A_168 [1] : vector<1024x1024xf32> to vector<1024xf32>
    %broadcast_in_dim3A_170 = vector.shape_cast %reduce_min3A_169 : vector<1024xf32> to vector<1024x1xf32>
    %eq3A_171 = vector.broadcast %broadcast_in_dim3A_170 : vector<1024x1xf32> to vector<1024x1024xf32>
    %eq3A_172 = arith.cmpf oeq, %add3A_167, %eq3A_171 : vector<1024x1024xf32>
    %jit3A_173 = arith.constant 1.024000e+03 : f32
    %broadcast_in_dim3A_174 = vector.broadcast %jit3A_173 : f32 to vector<1024x1024xf32>
    %select_n3A_175 = arith.select %eq3A_172, %convert_element_type3A, %broadcast_in_dim3A_174 : vector<1024x1024xi1>, vector<1024x1024xf32>
    %reduce_min3A_176 = arith.constant dense<0x7F800000> : vector<1024xf32>
    %reduce_min3A_177 = vector.multi_reduction <minimumf>, %select_n3A_175, %reduce_min3A_176 [1] : vector<1024x1024xf32> to vector<1024xf32>
    %convert_element_type3A_178 = arith.fptosi %reduce_min3A_177 : vector<1024xf32> to vector<1024xi32>
    %swap3A_179 = arith.constant 2 : index
    %swap3A_180 = arith.constant 0 : index
    %swap3A_181 = arith.constant 0 : index
    %swap3A_182 = arith.constant 0 : index
    %swap3A_183 = vector.load %arg4[%swap3A_179, %swap3A_180, %swap3A_181, %swap3A_182] : memref<4x1x1x1024xi32, #tpu.memory_space<vmem>>, vector<1x1x1x1024xi32>
    %swap3A_184 = vector.shape_cast %swap3A_183 : vector<1x1x1x1024xi32> to vector<1024xi32>
    %swap3A_185 = vector.shape_cast %convert_element_type3A_178 : vector<1024xi32> to vector<1x1x1x1024xi32>
    tpu.vector_store %arg4[%swap3A_179, %swap3A_180, %swap3A_181, %swap3A_182], %swap3A_185 {strides = array<i32>} : memref<4x1x1x1024xi32, #tpu.memory_space<vmem>>, vector<1x1x1x1024xi32>,
    %add3A_186 = arith.constant 2048 : i32
    %add3A_187 = vector.broadcast %add3A_186 : i32 to vector<1024xi32>
    %add3A_188 = arith.addi %convert_element_type3A_178, %add3A_187 : vector<1024xi32>
    %swap3A_189 = arith.constant 2 : index
    %swap3A_190 = arith.constant 0 : index
    %swap3A_191 = arith.constant 0 : index
    %swap3A_192 = arith.constant 0 : index
    %swap3A_193 = vector.load %arg5[%swap3A_189, %swap3A_190, %swap3A_191, %swap3A_192] : memref<4x1x1x1024xi32, #tpu.memory_space<vmem>>, vector<1x1x1x1024xi32>
    %swap3A_194 = vector.shape_cast %swap3A_193 : vector<1x1x1x1024xi32> to vector<1024xi32>
    %swap3A_195 = vector.shape_cast %add3A_188 : vector<1024xi32> to vector<1x1x1x1024xi32>
    tpu.vector_store %arg5[%swap3A_189, %swap3A_190, %swap3A_191, %swap3A_192], %swap3A_195 {strides = array<i32>} : memref<4x1x1x1024xi32, #tpu.memory_space<vmem>>, vector<1x1x1x1024xi32>,
    %convert_element_type3A_196 = arith.extui %eq3A_172 : vector<1024x1024xi1> to vector<1024x1024xi32>
    %convert_element_type3A_197 = arith.sitofp %convert_element_type3A_196 : vector<1024x1024xi32> to vector<1024x1024xf32>
    %reduce_sum3A_198 = arith.constant dense<0.000000e+00> : vector<1024xf32>
    %reduce_sum3A_199 = vector.multi_reduction <add>, %convert_element_type3A_197, %reduce_sum3A_198 [0] : vector<1024x1024xf32> to vector<1024xf32>
    %reduce_sum3A_200 = vector.shape_cast %broadcast_in_dim3A_170 : vector<1024x1xf32> to vector<1x1024x1xf32>
    %reduce_sum3A_201 = arith.constant dense<0.000000e+00> : vector<1xf32>
    %reduce_sum3A_202 = vector.multi_reduction <add>, %reduce_sum3A_200, %reduce_sum3A_201 [1, 2] : vector<1x1024x1xf32> to vector<1xf32>
    %reduce_sum3A_203 = vector.shape_cast %reduce_sum3A_202 : vector<1xf32> to vector<1x1x1xf32>
    %reduce_sum3A_204 = vector.extract %reduce_sum3A_203[0, 0, 0] : f32 from vector<1x1x1xf32>
    %add3A_205 = arith.addf %add3A_127, %reduce_sum3A_204 : f32
    %eq3A_206 = arith.constant 0 : i32
    %eq3A_207 = arith.cmpi eq, %arg0, %eq3A_206 : i32
    %convert_element_type3A_208 = arith.extui %eq3A_207 : i1 to i32
    %cond3A_209 = arith.constant 0 : i32
    %cond3A_210 = arith.cmpi ne, %convert_element_type3A_208, %cond3A_209 : i32
    scf.if %cond3A_210 {
      %swap3A_314 = arith.constant 2 : index
      %swap3A_315 = arith.constant 0 : index
      %swap3A_316 = arith.constant 0 : index
      %swap3A_317 = vector.load %arg6[%swap3A_314, %swap3A_315, %swap3A_316] : memref<4x1x1024xf32, #tpu.memory_space<vmem>>, vector<1x1x1024xf32>
      %swap3A_318 = vector.shape_cast %swap3A_317 : vector<1x1x1024xf32> to vector<1024xf32>
      %swap3A_319 = vector.shape_cast %reduce_sum3A_199 : vector<1024xf32> to vector<1x1x1024xf32>
      tpu.vector_store %arg6[%swap3A_314, %swap3A_315, %swap3A_316], %swap3A_319 {strides = array<i32>} : memref<4x1x1024xf32, #tpu.memory_space<vmem>>, vector<1x1x1024xf32>,
    } else {
    }
    %gt3A_211 = arith.constant 0 : i32
    %gt3A_212 = arith.cmpi sgt, %arg0, %gt3A_211 : i32
    %convert_element_type3A_213 = arith.extui %gt3A_212 : i1 to i32
    %cond3A_214 = arith.constant 0 : i32
    %cond3A_215 = arith.cmpi ne, %convert_element_type3A_213, %cond3A_214 : i32
    scf.if %cond3A_215 {
      %get3A_314 = arith.constant 2 : index
      %get3A_315 = arith.constant 0 : index
      %get3A_316 = arith.constant 0 : index
      %get3A_317 = vector.load %arg6[%get3A_314, %get3A_315, %get3A_316] : memref<4x1x1024xf32, #tpu.memory_space<vmem>>, vector<1x1x1024xf32>
      %get3A_318 = vector.shape_cast %get3A_317 : vector<1x1x1024xf32> to vector<1024xf32>
      %add3A_319 = arith.addf %get3A_318, %reduce_sum3A_199 : vector<1024xf32>
      %swap3A_320 = arith.constant 2 : index
      %swap3A_321 = arith.constant 0 : index
      %swap3A_322 = arith.constant 0 : index
      %swap3A_323 = vector.load %arg6[%swap3A_320, %swap3A_321, %swap3A_322] : memref<4x1x1024xf32, #tpu.memory_space<vmem>>, vector<1x1x1024xf32>
      %swap3A_324 = vector.shape_cast %swap3A_323 : vector<1x1x1024xf32> to vector<1024xf32>
      %swap3A_325 = vector.shape_cast %add3A_319 : vector<1024xf32> to vector<1x1x1024xf32>
      tpu.vector_store %arg6[%swap3A_320, %swap3A_321, %swap3A_322], %swap3A_325 {strides = array<i32>} : memref<4x1x1024xf32, #tpu.memory_space<vmem>>, vector<1x1x1024xf32>,
    } else {
    }
    %eq3A_216 = arith.constant 15 : i32
    %eq3A_217 = arith.cmpi eq, %arg0, %eq3A_216 : i32
    %convert_element_type3A_218 = arith.extui %eq3A_217 : i1 to i32
    %cond3A_219 = arith.constant 0 : i32
    %cond3A_220 = arith.cmpi ne, %convert_element_type3A_218, %cond3A_219 : i32
    scf.if %cond3A_220 {
      %get3A_314 = arith.constant 2 : index
      %get3A_315 = arith.constant 0 : index
      %get3A_316 = arith.constant 0 : index
      %get3A_317 = vector.load %arg3[%get3A_314, %get3A_315, %get3A_316] : memref<4x1x1024xf32, #tpu.memory_space<vmem>>, vector<1x1x1024xf32>
      %get3A_318 = vector.shape_cast %get3A_317 : vector<1x1x1024xf32> to vector<1024xf32>
      %mul3A_319 = arith.constant 9.900000e-01 : f32
      %mul3A_320 = vector.broadcast %mul3A_319 : f32 to vector<1024xf32>
      %mul3A_321 = arith.mulf %mul3A_320, %get3A_318 : vector<1024xf32>
      %get3A_322 = arith.constant 2 : index
      %get3A_323 = arith.constant 0 : index
      %get3A_324 = arith.constant 0 : index
      %get3A_325 = vector.load %arg6[%get3A_322, %get3A_323, %get3A_324] : memref<4x1x1024xf32, #tpu.memory_space<vmem>>, vector<1x1x1024xf32>
      %get3A_326 = vector.shape_cast %get3A_325 : vector<1x1x1024xf32> to vector<1024xf32>
      %mul3A_327 = arith.constant 0.00999999977 : f32
      %mul3A_328 = vector.broadcast %mul3A_327 : f32 to vector<1024xf32>
      %mul3A_329 = arith.mulf %mul3A_328, %get3A_326 : vector<1024xf32>
      %add3A_330 = arith.addf %mul3A_321, %mul3A_329 : vector<1024xf32>
      %swap3A_331 = arith.constant 2 : index
      %swap3A_332 = arith.constant 0 : index
      %swap3A_333 = arith.constant 0 : index
      %swap3A_334 = vector.load %arg6[%swap3A_331, %swap3A_332, %swap3A_333] : memref<4x1x1024xf32, #tpu.memory_space<vmem>>, vector<1x1x1024xf32>
      %swap3A_335 = vector.shape_cast %swap3A_334 : vector<1x1x1024xf32> to vector<1024xf32>
      %swap3A_336 = vector.shape_cast %add3A_330 : vector<1024xf32> to vector<1x1x1024xf32>
      tpu.vector_store %arg6[%swap3A_331, %swap3A_332, %swap3A_333], %swap3A_336 {strides = array<i32>} : memref<4x1x1024xf32, #tpu.memory_space<vmem>>, vector<1x1x1024xf32>,
    } else {
    }
    %get3A_221 = arith.constant 0 : index
    %get3A_222 = arith.constant 192 : index
    %get3A_223 = vector.load %arg1[%get3A_221, %get3A_222] : memref<1024x256xf32, #tpu.memory_space<vmem>>, vector<1024x64xf32>
    %get3A_224 = arith.constant 3 : index
    %get3A_225 = arith.constant 0 : index
    %get3A_226 = arith.constant 0 : index
    %get3A_227 = vector.load %arg2[%get3A_224, %get3A_225, %get3A_226] : memref<4x1024x64xf32, #tpu.memory_space<vmem>>, vector<1x1024x64xf32>
    %get3A_228 = vector.shape_cast %get3A_227 : vector<1x1024x64xf32> to vector<1024x64xf32>
    %mul3A_229 = arith.mulf %get3A_223, %get3A_223 : vector<1024x64xf32>
    %reduce_sum3A_230 = arith.constant dense<0.000000e+00> : vector<1024xf32>
    %reduce_sum3A_231 = vector.multi_reduction <add>, %mul3A_229, %reduce_sum3A_230 [1] : vector<1024x64xf32> to vector<1024xf32>
    %broadcast_in_dim3A_232 = vector.shape_cast %reduce_sum3A_231 : vector<1024xf32> to vector<1024x1xf32>
    %mul3A_233 = arith.mulf %get3A_228, %get3A_228 : vector<1024x64xf32>
    %reduce_sum3A_234 = arith.constant dense<0.000000e+00> : vector<1024xf32>
    %reduce_sum3A_235 = vector.multi_reduction <add>, %mul3A_233, %reduce_sum3A_234 [1] : vector<1024x64xf32> to vector<1024xf32>
    %broadcast_in_dim3A_236 = vector.shape_cast %reduce_sum3A_235 : vector<1024xf32> to vector<1x1024xf32>
    %dot_general3A_237 = arith.constant dense<0.000000e+00> : vector<1024x1024xf32>
    %dot_general3A_238 = tpu.matmul %get3A_223, %get3A_228, %dot_general3A_237 {dimension_numbers = #tpu.dot_dimension_numbers<[1], [1], [0], [0], [0, 0, 1, 0], [], []>, transpose_lhs_hint = false} : vector<1024x64xf32>, vector<1024x64xf32>, vector<1024x1024xf32> -> vector<1024x1024xf32>
    %mul3A_239 = arith.constant 2.000000e+00 : f32
    %mul3A_240 = vector.broadcast %mul3A_239 : f32 to vector<1024x1024xf32>
    %mul3A_241 = arith.mulf %mul3A_240, %dot_general3A_238 : vector<1024x1024xf32>
    %sub3A_242 = vector.broadcast %broadcast_in_dim3A_232 : vector<1024x1xf32> to vector<1024x1024xf32>
    %sub3A_243 = arith.subf %sub3A_242, %mul3A_241 : vector<1024x1024xf32>
    %add3A_244 = vector.broadcast %broadcast_in_dim3A_236 : vector<1x1024xf32> to vector<1024x1024xf32>
    %add3A_245 = arith.addf %sub3A_243, %add3A_244 : vector<1024x1024xf32>
    %reduce_min3A_246 = arith.constant dense<0x7F800000> : vector<1024xf32>
    %reduce_min3A_247 = vector.multi_reduction <minimumf>, %add3A_245, %reduce_min3A_246 [1] : vector<1024x1024xf32> to vector<1024xf32>
    %broadcast_in_dim3A_248 = vector.shape_cast %reduce_min3A_247 : vector<1024xf32> to vector<1024x1xf32>
    %eq3A_249 = vector.broadcast %broadcast_in_dim3A_248 : vector<1024x1xf32> to vector<1024x1024xf32>
    %eq3A_250 = arith.cmpf oeq, %add3A_245, %eq3A_249 : vector<1024x1024xf32>
    %jit3A_251 = arith.constant 1.024000e+03 : f32
    %broadcast_in_dim3A_252 = vector.broadcast %jit3A_251 : f32 to vector<1024x1024xf32>
    %select_n3A_253 = arith.select %eq3A_250, %convert_element_type3A, %broadcast_in_dim3A_252 : vector<1024x1024xi1>, vector<1024x1024xf32>
    %reduce_min3A_254 = arith.constant dense<0x7F800000> : vector<1024xf32>
    %reduce_min3A_255 = vector.multi_reduction <minimumf>, %select_n3A_253, %reduce_min3A_254 [1] : vector<1024x1024xf32> to vector<1024xf32>
    %convert_element_type3A_256 = arith.fptosi %reduce_min3A_255 : vector<1024xf32> to vector<1024xi32>
    %swap3A_257 = arith.constant 3 : index
    %swap3A_258 = arith.constant 0 : index
    %swap3A_259 = arith.constant 0 : index
    %swap3A_260 = arith.constant 0 : index
    %swap3A_261 = vector.load %arg4[%swap3A_257, %swap3A_258, %swap3A_259, %swap3A_260] : memref<4x1x1x1024xi32, #tpu.memory_space<vmem>>, vector<1x1x1x1024xi32>
    %swap3A_262 = vector.shape_cast %swap3A_261 : vector<1x1x1x1024xi32> to vector<1024xi32>
    %swap3A_263 = vector.shape_cast %convert_element_type3A_256 : vector<1024xi32> to vector<1x1x1x1024xi32>
    tpu.vector_store %arg4[%swap3A_257, %swap3A_258, %swap3A_259, %swap3A_260], %swap3A_263 {strides = array<i32>} : memref<4x1x1x1024xi32, #tpu.memory_space<vmem>>, vector<1x1x1x1024xi32>,
    %add3A_264 = arith.constant 3072 : i32
    %add3A_265 = vector.broadcast %add3A_264 : i32 to vector<1024xi32>
    %add3A_266 = arith.addi %convert_element_type3A_256, %add3A_265 : vector<1024xi32>
    %swap3A_267 = arith.constant 3 : index
    %swap3A_268 = arith.constant 0 : index
    %swap3A_269 = arith.constant 0 : index
    %swap3A_270 = arith.constant 0 : index
    %swap3A_271 = vector.load %arg5[%swap3A_267, %swap3A_268, %swap3A_269, %swap3A_270] : memref<4x1x1x1024xi32, #tpu.memory_space<vmem>>, vector<1x1x1x1024xi32>
    %swap3A_272 = vector.shape_cast %swap3A_271 : vector<1x1x1x1024xi32> to vector<1024xi32>
    %swap3A_273 = vector.shape_cast %add3A_266 : vector<1024xi32> to vector<1x1x1x1024xi32>
    tpu.vector_store %arg5[%swap3A_267, %swap3A_268, %swap3A_269, %swap3A_270], %swap3A_273 {strides = array<i32>} : memref<4x1x1x1024xi32, #tpu.memory_space<vmem>>, vector<1x1x1x1024xi32>,
    %convert_element_type3A_274 = arith.extui %eq3A_250 : vector<1024x1024xi1> to vector<1024x1024xi32>
    %convert_element_type3A_275 = arith.sitofp %convert_element_type3A_274 : vector<1024x1024xi32> to vector<1024x1024xf32>
    %reduce_sum3A_276 = arith.constant dense<0.000000e+00> : vector<1024xf32>
    %reduce_sum3A_277 = vector.multi_reduction <add>, %convert_element_type3A_275, %reduce_sum3A_276 [0] : vector<1024x1024xf32> to vector<1024xf32>
    %reduce_sum3A_278 = vector.shape_cast %broadcast_in_dim3A_248 : vector<1024x1xf32> to vector<1x1024x1xf32>
    %reduce_sum3A_279 = arith.constant dense<0.000000e+00> : vector<1xf32>
    %reduce_sum3A_280 = vector.multi_reduction <add>, %reduce_sum3A_278, %reduce_sum3A_279 [1, 2] : vector<1x1024x1xf32> to vector<1xf32>
    %reduce_sum3A_281 = vector.shape_cast %reduce_sum3A_280 : vector<1xf32> to vector<1x1x1xf32>
    %reduce_sum3A_282 = vector.extract %reduce_sum3A_281[0, 0, 0] : f32 from vector<1x1x1xf32>
    %add3A_283 = arith.addf %add3A_205, %reduce_sum3A_282 : f32
    %eq3A_284 = arith.constant 0 : i32
    %eq3A_285 = arith.cmpi eq, %arg0, %eq3A_284 : i32
    %convert_element_type3A_286 = arith.extui %eq3A_285 : i1 to i32
    %cond3A_287 = arith.constant 0 : i32
    %cond3A_288 = arith.cmpi ne, %convert_element_type3A_286, %cond3A_287 : i32
    scf.if %cond3A_288 {
      %swap3A_314 = arith.constant 3 : index
      %swap3A_315 = arith.constant 0 : index
      %swap3A_316 = arith.constant 0 : index
      %swap3A_317 = vector.load %arg6[%swap3A_314, %swap3A_315, %swap3A_316] : memref<4x1x1024xf32, #tpu.memory_space<vmem>>, vector<1x1x1024xf32>
      %swap3A_318 = vector.shape_cast %swap3A_317 : vector<1x1x1024xf32> to vector<1024xf32>
      %swap3A_319 = vector.shape_cast %reduce_sum3A_277 : vector<1024xf32> to vector<1x1x1024xf32>
      tpu.vector_store %arg6[%swap3A_314, %swap3A_315, %swap3A_316], %swap3A_319 {strides = array<i32>} : memref<4x1x1024xf32, #tpu.memory_space<vmem>>, vector<1x1x1024xf32>,
    } else {
    }
    %gt3A_289 = arith.constant 0 : i32
    %gt3A_290 = arith.cmpi sgt, %arg0, %gt3A_289 : i32
    %convert_element_type3A_291 = arith.extui %gt3A_290 : i1 to i32
    %cond3A_292 = arith.constant 0 : i32
    %cond3A_293 = arith.cmpi ne, %convert_element_type3A_291, %cond3A_292 : i32
    scf.if %cond3A_293 {
      %get3A_314 = arith.constant 3 : index
      %get3A_315 = arith.constant 0 : index
      %get3A_316 = arith.constant 0 : index
      %get3A_317 = vector.load %arg6[%get3A_314, %get3A_315, %get3A_316] : memref<4x1x1024xf32, #tpu.memory_space<vmem>>, vector<1x1x1024xf32>
      %get3A_318 = vector.shape_cast %get3A_317 : vector<1x1x1024xf32> to vector<1024xf32>
      %add3A_319 = arith.addf %get3A_318, %reduce_sum3A_277 : vector<1024xf32>
      %swap3A_320 = arith.constant 3 : index
      %swap3A_321 = arith.constant 0 : index
      %swap3A_322 = arith.constant 0 : index
      %swap3A_323 = vector.load %arg6[%swap3A_320, %swap3A_321, %swap3A_322] : memref<4x1x1024xf32, #tpu.memory_space<vmem>>, vector<1x1x1024xf32>
      %swap3A_324 = vector.shape_cast %swap3A_323 : vector<1x1x1024xf32> to vector<1024xf32>
      %swap3A_325 = vector.shape_cast %add3A_319 : vector<1024xf32> to vector<1x1x1024xf32>
      tpu.vector_store %arg6[%swap3A_320, %swap3A_321, %swap3A_322], %swap3A_325 {strides = array<i32>} : memref<4x1x1024xf32, #tpu.memory_space<vmem>>, vector<1x1x1024xf32>,
    } else {
    }
    %eq3A_294 = arith.constant 15 : i32
    %eq3A_295 = arith.cmpi eq, %arg0, %eq3A_294 : i32
    %convert_element_type3A_296 = arith.extui %eq3A_295 : i1 to i32
    %cond3A_297 = arith.constant 0 : i32
    %cond3A_298 = arith.cmpi ne, %convert_element_type3A_296, %cond3A_297 : i32
    scf.if %cond3A_298 {
      %get3A_314 = arith.constant 3 : index
      %get3A_315 = arith.constant 0 : index
      %get3A_316 = arith.constant 0 : index
      %get3A_317 = vector.load %arg3[%get3A_314, %get3A_315, %get3A_316] : memref<4x1x1024xf32, #tpu.memory_space<vmem>>, vector<1x1x1024xf32>
      %get3A_318 = vector.shape_cast %get3A_317 : vector<1x1x1024xf32> to vector<1024xf32>
      %mul3A_319 = arith.constant 9.900000e-01 : f32
      %mul3A_320 = vector.broadcast %mul3A_319 : f32 to vector<1024xf32>
      %mul3A_321 = arith.mulf %mul3A_320, %get3A_318 : vector<1024xf32>
      %get3A_322 = arith.constant 3 : index
      %get3A_323 = arith.constant 0 : index
      %get3A_324 = arith.constant 0 : index
      %get3A_325 = vector.load %arg6[%get3A_322, %get3A_323, %get3A_324] : memref<4x1x1024xf32, #tpu.memory_space<vmem>>, vector<1x1x1024xf32>
      %get3A_326 = vector.shape_cast %get3A_325 : vector<1x1x1024xf32> to vector<1024xf32>
      %mul3A_327 = arith.constant 0.00999999977 : f32
      %mul3A_328 = vector.broadcast %mul3A_327 : f32 to vector<1024xf32>
      %mul3A_329 = arith.mulf %mul3A_328, %get3A_326 : vector<1024xf32>
      %add3A_330 = arith.addf %mul3A_321, %mul3A_329 : vector<1024xf32>
      %swap3A_331 = arith.constant 3 : index
      %swap3A_332 = arith.constant 0 : index
      %swap3A_333 = arith.constant 0 : index
      %swap3A_334 = vector.load %arg6[%swap3A_331, %swap3A_332, %swap3A_333] : memref<4x1x1024xf32, #tpu.memory_space<vmem>>, vector<1x1x1024xf32>
      %swap3A_335 = vector.shape_cast %swap3A_334 : vector<1x1x1024xf32> to vector<1024xf32>
      %swap3A_336 = vector.shape_cast %add3A_330 : vector<1024xf32> to vector<1x1x1024xf32>
      tpu.vector_store %arg6[%swap3A_331, %swap3A_332, %swap3A_333], %swap3A_336 {strides = array<i32>} : memref<4x1x1024xf32, #tpu.memory_space<vmem>>, vector<1x1x1024xf32>,
    } else {
    }
    %eq3A_299 = arith.constant 0 : i32
    %eq3A_300 = arith.cmpi eq, %arg0, %eq3A_299 : i32
    %convert_element_type3A_301 = arith.extui %eq3A_300 : i1 to i32
    %cond3A_302 = arith.constant 0 : i32
    %cond3A_303 = arith.cmpi ne, %convert_element_type3A_301, %cond3A_302 : i32
    scf.if %cond3A_303 {
      %swap3A_314 = arith.constant 0 : index
      %swap3A_315 = memref.load %arg8[%swap3A_314] : memref<1xf32, #tpu.memory_space<smem>>
      memref.store %add3A_283, %arg8[%swap3A_314] : memref<1xf32, #tpu.memory_space<smem>>
    } else {
    }
    %gt3A_304 = arith.constant 0 : i32
    %gt3A_305 = arith.cmpi sgt, %arg0, %gt3A_304 : i32
    %convert_element_type3A_306 = arith.extui %gt3A_305 : i1 to i32
    %cond3A_307 = arith.constant 0 : i32
    %cond3A_308 = arith.cmpi ne, %convert_element_type3A_306, %cond3A_307 : i32
    scf.if %cond3A_308 {
      %get3A_314 = arith.constant 0 : index
      %get3A_315 = memref.load %arg8[%get3A_314] : memref<1xf32, #tpu.memory_space<smem>>
      %add3A_316 = arith.addf %get3A_315, %add3A_283 : f32
      %swap3A_317 = arith.constant 0 : index
      %swap3A_318 = memref.load %arg8[%swap3A_317] : memref<1xf32, #tpu.memory_space<smem>>
      memref.store %add3A_316, %arg8[%swap3A_317] : memref<1xf32, #tpu.memory_space<smem>>
    } else {
    }
    %eq3A_309 = arith.constant 15 : i32
    %eq3A_310 = arith.cmpi eq, %arg0, %eq3A_309 : i32
    %convert_element_type3A_311 = arith.extui %eq3A_310 : i1 to i32
    %cond3A_312 = arith.constant 0 : i32
    %cond3A_313 = arith.cmpi ne, %convert_element_type3A_311, %cond3A_312 : i32
    scf.if %cond3A_313 {
      %get3A_314 = arith.constant 0 : index
      %get3A_315 = memref.load %arg8[%get3A_314] : memref<1xf32, #tpu.memory_space<smem>>
      %mul3A_316 = arith.constant 2.98023224E-7 : f32
      %mul3A_317 = arith.mulf %get3A_315, %mul3A_316 : f32
      %swap3A_318 = arith.constant 0 : index
      %swap3A_319 = arith.constant 0 : index
      %swap3A_320 = memref.load %arg7[%swap3A_318, %swap3A_319] : memref<1x1xf32, #tpu.memory_space<smem>>
      memref.store %mul3A_317, %arg7[%swap3A_318, %swap3A_319] : memref<1x1xf32, #tpu.memory_space<smem>>
    } else {
    }
    return
  }
  func.func @transform_0(%arg0: i32) -> (i32, i32) {
    %c0_i32 = arith.constant 0 : i32
    %c0_i32_0 = arith.constant 0 : i32
    return %arg0, %c0_i32 : i32, i32
  }
  func.func @transform_1(%arg0: i32) -> (i32, i32, i32) {
    %c0_i32 = arith.constant 0 : i32
    %c0_i32_0 = arith.constant 0 : i32
    %c0_i32_1 = arith.constant 0 : i32
    %c0_i32_2 = arith.constant 0 : i32
    return %c0_i32, %c0_i32_0, %c0_i32_1 : i32, i32, i32
  }
  func.func @transform_2(%arg0: i32) -> (i32, i32, i32) {
    %c0_i32 = arith.constant 0 : i32
    %c0_i32_0 = arith.constant 0 : i32
    %c0_i32_1 = arith.constant 0 : i32
    %c0_i32_2 = arith.constant 0 : i32
    return %c0_i32, %c0_i32_0, %c0_i32_1 : i32, i32, i32
  }
  func.func @transform_3(%arg0: i32) -> (i32, i32, i32, i32) {
    %c0_i32 = arith.constant 0 : i32
    %c0_i32_0 = arith.constant 0 : i32
    %c0_i32_1 = arith.constant 0 : i32
    %c0_i32_2 = arith.constant 0 : i32
    return %c0_i32, %arg0, %c0_i32_0, %c0_i32_1 : i32, i32, i32, i32
  }
  func.func @transform_4(%arg0: i32) -> (i32, i32, i32, i32) {
    %c0_i32 = arith.constant 0 : i32
    %c0_i32_0 = arith.constant 0 : i32
    %c0_i32_1 = arith.constant 0 : i32
    %c0_i32_2 = arith.constant 0 : i32
    return %c0_i32, %arg0, %c0_i32_0, %c0_i32_1 : i32, i32, i32, i32
  }
  func.func @transform_5(%arg0: i32) -> (i32, i32, i32) {
    %c0_i32 = arith.constant 0 : i32
    %c0_i32_0 = arith.constant 0 : i32
    %c0_i32_1 = arith.constant 0 : i32
    %c0_i32_2 = arith.constant 0 : i32
    return %c0_i32, %c0_i32_0, %c0_i32_1 : i32, i32, i32
  }
  func.func @transform_6(%arg0: i32) -> (i32, i32) {
    %c0_i32 = arith.constant 0 : i32
    %c0_i32_0 = arith.constant 0 : i32
    %c0_i32_1 = arith.constant 0 : i32
    return %c0_i32, %c0_i32_0 : i32, i32
  }
}

</mosaic_0001>

<sc_bundles>
// kernel: kernel.4.cloned.1.call-start
scs
__scs_entry_jumppad:
0x0: {  	(pc) =	sbr.rel $0x88, $3  }
0x1: {  	(tag) =	ssettag $0x0;
	lr =	simm.s32 $0x1  }
0x2: {  	[smem:$0x3F9D] =	sst lr;
	_ =	strace $0xD0000000  }
0x3: {  	_ = 	snop  }
0x4: {  	_ = 	snop  }
0x5: {  	_ = 	snop  }
0x6: {  	_ = 	snop  }
0x7: {  	_ = 	snop  }
__scs_overlays_trampoline_lowered:
0x8: {  	[smem:$0x3FAC] =	sst s0  }
0x9: {  	[smem:$0x3FAD] =	sst s1  }
0xa: {  	[smem:$0x3FAE] =	sst s2  }
0xb: {  	[smem:$0x3FAF] =	sst s3  }
0xc: {  	[smem:$0x3FB0] =	sst s4  }
0xd: {  	[smem:$0x3FB1] =	sst s5  }
0xe: {  	[smem:$0x3FB2] =	sst s6  }
0xf: {  	[smem:$0x3FB3] =	sst s7  }
0x10: {  	[smem:$0x3FB4] =	sst s8  }
0x11: {  	[smem:$0x3FB5] =	sst s9;
	s0 =	simm.s32 @!p0 $0x0  }
0x12: {  	s1 =	sld [smem:$0x3F9B];
	s0 =	simm.s32 @p0 $0x1  }
0x13: {  	[smem:$0x3FB6] =	sst s0;
	s0 =	simm.s32 @!p1 $0x0  }
0x14: {  	s2 =	sld [smem:$0x3F9A];
	s0 =	simm.s32 @p1 $0x1  }
0x15: {  	[smem:$0x3FB7] =	sst s0;
	s0 =	simm.s32 @!p2 $0x0  }
0x16: {  	s3 =	sld [smem:$0x3FDB];
	s0 =	simm.s32 @p2 $0x1  }
0x17: {  	s4 =	simm.s32 $0x1BF5;
	[smem:$0x3FB9] =	sst s0  }
0x18: {  	s0 =	sld [smem:$0x3F9C];
	_ =	swait.ge [sflag:s4], $0x0  }
0x19: {  	s7 =	sld [smem:$0x3F9D]  }
0x1a: {  	s8 =	sadd.s32 $0xFFFFE003, lr  }
0x1b: {  	s9 =	sadd.s32 $0xFFFFFEF7, lr;
	s5 =	simm.s32 $0xFFFFFFFF;
	p2 =	slt.u32 s8, $0xFFFFF086  }
0x1c: {  	p1 =	slt.u32 s9, $0xF7A;
	s5 =	simm.s32 @!p2 $0x0  }
0x1d: {  	s5 =	simm.s32 @p1 $0x1;
	p0 =	seq.s32 s7, s2  }
0x1e: {  	s7 =	smul.u32 @!p0 $0xF7A, s2;
	p2 =	seq.s32 @!p0 s5, $0x0  }
0x1f: {  	s9 =	smul.u32 $0xF7A, s1;
	s8 =	simm.s32 @!p0 $0x1BF5;
	p2 =	por !p2, p0  }
0x20: {  	[sflag:s8] =	ssyncset.s32 @!p0 $0xFFFFF086;
	s6 =	sadd.s32 @!p0 s3, s7;
	s7 =	simm.s32 @!p0 $0x108  }
0x21: {  	s3 =	sadd.s32 s3, s9;
	s6 =	sadd.s32 @!p0 $0x88, s6;
	s7 =	simm.s32 @p2 $0x1082  }
0x22: {  	[simem:s7], [sflag:s8] =	dma.local @!p0 [hbm:s6], $0xF7A  }
0x23: {  	s9 =	sor.u32 $0xD0000000, s2;
	s6 =	simm.s32 $0x108;
	_ =	swait.ge @!p0 [sflag:s8], $0x0  }
0x24: {  	s3 =	sadd.s32 $0x88, s3;
	s6 =	simm.s32 @!p1 $0x1082;
	[sflag:s4] =	ssyncset.s32 $0xFFFFF086  }
0x25: {  	[simem:s6], [sflag:s4] =	dma.local [hbm:s3], $0xF7A  }
0x26: {  	[smem:$0x3F9D] =	sst s1;
	(tag) =	ssettag s2;
	_ =	strace s9  }
0x27: {  	s1 =	sld [smem:$0x3FAD]  }
0x28: {  	s2 =	sld [smem:$0x3FAE]  }
0x29: {  	s4 =	sld [smem:$0x3FB0]  }
0x2a: {  	p0 =	seq.s32 s5, $0x0;
	s5 =	sld [smem:$0x3FB1]  }
0x2b: {  	s6 =	sld [smem:$0x3FB2]  }
0x2c: {  	s7 =	sld [smem:$0x3FB3]  }
0x2d: {  	s3 =	simm.s32 $0x108;
	s8 =	sld [smem:$0x3FB4]  }
0x2e: {  	s3 =	simm.s32 @!p0 $0x1082;
	s9 =	sld [smem:$0x3FB5]  }
0x2f: {  	lr =	sadd.s32 s0, s3;
	s0 =	sld [smem:$0x3FAC]  }
0x30: {  	s3 =	sld [smem:$0x3FAF]  }
0x31: {  	[smem:$0x3FB8] =	sst s10  }
0x32: {  	s10 =	sld [smem:$0x3FB6];
	_ =	sdelay $0x3  }
0x33: {  	p0 =	seq.s32 s10, $0x1;
	s10 =	sld [smem:$0x3FB8];
	_ =	sdelay $0x3  }
0x34: {  	[smem:$0x3FB8] =	sst s10  }
0x35: {  	s10 =	sld [smem:$0x3FB7];
	_ =	sdelay $0x3  }
0x36: {  	p1 =	seq.s32 s10, $0x1;
	s10 =	sld [smem:$0x3FB8];
	_ =	sdelay $0x3  }
0x37: {  	[smem:$0x3FB8] =	sst s10  }
0x38: {  	s10 =	sld [smem:$0x3FB9]  }
0x39: {  	_ = 	snop;
	(pc) =	sbr.ind lr, $3  }
0x3a: {  	_ = 	snop  }
0x3b: {  	_ = 	snop  }
0x3c: {  	p2 =	seq.s32 s10, $0x1;
	s10 =	sld [smem:$0x3FB8]  }
0x3d: {  	_ =	shalt  }
0x3e: {  	_ =	shalt  }
0x3f: {  	_ =	shalt  }
0x40: {  	_ =	shalt  }
0x41: {  	_ =	shalt  }
0x42: {  	_ =	shalt  }
0x43: {  	_ =	shalt  }
0x44: {  	_ =	shalt  }
0x45: {  	_ =	shalt  }
0x46: {  	_ =	shalt  }
0x47: {  	_ =	shalt  }
0x48: {  	_ =	shalt  }
0x49: {  	_ =	shalt  }
0x4a: {  	_ =	shalt  }
0x4b: {  	_ =	shalt  }
0x4c: {  	_ =	shalt  }
0x4d: {  	_ =	shalt  }
0x4e: {  	_ =	shalt  }
0x4f: {  	_ =	shalt  }
0x50: {  	_ =	shalt  }
0x51: {  	_ =	shalt  }
0x52: {  	_ =	shalt  }
0x53: {  	_ =	shalt  }
0x54: {  	_ =	shalt  }
0x55: {  	_ =	shalt  }
0x56: {  	_ =	shalt  }
0x57: {  	_ =	shalt  }
0x58: {  	_ =	shalt  }
0x59: {  	_ =	shalt  }
0x5a: {  	_ =	shalt  }
0x5b: {  	_ =	shalt  }
0x5c: {  	_ =	shalt  }
0x5d: {  	_ =	shalt  }
0x5e: {  	_ =	shalt  }
0x5f: {  	_ =	shalt  }
0x60: {  	_ =	shalt  }
0x61: {  	_ =	shalt  }
0x62: {  	_ =	shalt  }
0x63: {  	_ =	shalt  }
0x64: {  	_ =	shalt  }
0x65: {  	_ =	shalt  }
0x66: {  	_ =	shalt  }
0x67: {  	_ =	shalt  }
0x68: {  	_ =	shalt  }
0x69: {  	_ =	shalt  }
0x6a: {  	_ =	shalt  }
0x6b: {  	_ =	shalt  }
0x6c: {  	_ =	shalt  }
0x6d: {  	_ =	shalt  }
0x6e: {  	_ =	shalt  }
0x6f: {  	_ =	shalt  }
0x70: {  	_ =	shalt  }
0x71: {  	_ =	shalt  }
0x72: {  	_ =	shalt  }
0x73: {  	_ =	shalt  }
0x74: {  	_ =	shalt  }
0x75: {  	_ =	shalt  }
0x76: {  	_ =	shalt  }
0x77: {  	_ =	shalt  }
0x78: {  	_ =	shalt  }
0x79: {  	_ =	shalt  }
0x7a: {  	_ =	shalt  }
0x7b: {  	_ =	shalt  }
0x7c: {  	_ =	shalt  }
0x7d: {  	_ =	shalt  }
0x7e: {  	_ =	shalt  }
0x7f: {  	_ =	shalt  }
0x80: {  	_ =	shalt  }
0x81: {  	_ =	shalt  }
0x82: {  	_ =	shalt  }
0x83: {  	_ =	shalt  }
0x84: {  	_ =	shalt  }
0x85: {  	_ =	shalt  }
0x86: {  	_ =	shalt  }
0x87: {  	_ =	shalt  }
.Lfunc_end0:
.L_simem_size_0:
called_computation_lowered:
.L_overlay_start_0:
0x88: {  	s2 =	sld [smem:$0x3FD9]  }
0x89: {  	s3 =	sld [smem:$0x3FFE];
	_ =	sdelay $0x1  }
0x8a: {  	s1 =	srdreg.scid  }
0x8b: {  	s0 =	sand.u32 $0x1, s1  }
0x8c: {  	s14 =	sshll.u32 s0, $0xA;
	s2 =	sadd.s32 s3, s2  }
0x8d: {  	s2 =	sadd.s32 s2, s14  }
0x8e: {  	[smem:$0x3FC4] =	sst s2  }
0x8f: {  	_ = 	snop  }
0x90: {  	s2 =	sld [smem:$0x3FD0];
	_ =	sdelay $0x2  }
0x91: {  	s15 =	simm.s32 $0xA;
	s4 =	simm.s32 $0x10  }
0x92: {  	[smem:s4], [sflag:s15] =	dma.local [hbm:s2], $0x1  }
0x93: {  	_ =	swait.eq [sflag:s15], $0x1  }
0x94: {  	[sflag:s15] =	ssyncset.done $0x0  }
0x95: {  	[sflag:s15] =	ssyncadd.s32 $0xFFFFFFFF  }
0x96: {  	s16 =	sld [smem:$0x10];
	(tm) =	ssettm $0x1  }
0x97: {  	s17 =	sld [smem:$0x3FFB];
	_ =	sdelay $0x3  }
0x98: {  	_ =	strace s17  }
0x99: {  	s3 =	sld [smem:$0x3FFC];
	_ =	sdelay $0x3  }
0x9a: {  	_ =	strace s3  }
0x9b: {  	s3 =	sld [smem:$0x3FFD];
	_ =	sdelay $0x3  }
0x9c: {  	_ =	strace s3  }
0x9d: {  	_ =	strace $0x8FFFFFFF  }
0x9e: {  	s18 =	sld [smem:$0x3FDB];
	_ =	sdelay $0x1  }
0x9f: {  	s19 =	simm.s32 $_scs_section_size  }
0xa0: {  	s5 =	simm.s32 $_size__tile_overlayer_lowered;
	s6 =	simm.s32 $_tile_overlayer_lowered  }
0xa1: {  	s22 =	simm.s32 $0x1BFF;
	s21 =	sshll.u32 s6, $0x1;
	s3 =	sadd.s32 s19, s18  }
0xa2: {  	s7 =	simm.s32 $0x0;
	s20 =	sshll.u32 s5, $0x1;
	s5 =	sadd.s32 s21, s3  }
0xa3: {  	[timem:s7], [sflag:s22] =	dma.local [hbm:s5], s20  }
0xa4: {  	_ =	swait.ge [sflag:s22], s20  }
0xa5: {  	s4 =	ssub.s32 $0x0, s20;
	[sflag:s22] =	ssyncset.done $0x0  }
0xa6: {  	[sflag:s22] =	ssyncadd.s32 s4;
	_ =	sdelay $0x1  }
0xa7: {  	s23 =	simm.s32 $0x1B8B  }
0xa8: {  	_ =	swait.ge [sflag:s23], $0x1  }
0xa9: {  	[sflag:s23] =	ssyncset.done $0x0  }
0xaa: {  	s25 =	simm.s32 $0x1B8E;
	s24 =	sld [smem:$0x3FFE];
	[sflag:s23] =	ssyncadd.s32 $0xFFFFFFFF  }
0xab: {  	s26 =	simm.s32 $execute0_lowered;
	[smem:$0x3FD2] =	sst s25  }
0xac: {  	s5 =	sshll.u32 s26, $0x1;
	_ =	strace $0x80000046;
	[dreg:$0x1] =	wrdreg $0xFFFFFFFF  }
0xad: {  	s28 =	simm.s32 $_size_execute0_lowered;
	s3 =	sadd.s32 s3, s5;
	[dreg:$0x0] =	wrdreg $0x0  }
0xae: {  	s5 =	sshll.u32 s28, $0x1;
	[dreg:$0x2] =	wrdreg s3  }
0xaf: {  	[dreg:$0x3] =	wrdreg s5  }
0xb0: {  	[dreg:$0x4] =	wrdreg $0xC0  }
0xb1: {  	_ =	task [dreg:s7], $0x5FFFF  }
0xb2: {  	[dreg:$0x1] =	wrdreg $0xFFFFFFFF  }
0xb3: {  	[dreg:$0x0] =	wrdreg $0x60  }
0xb4: {  	[dreg:$0x2] =	wrdreg s24  }
0xb5: {  	[dreg:$0x3] =	wrdreg s16  }
0xb6: {  	[dreg:$0x4] =	wrdreg $0x9  }
0xb7: {  	_ =	task.clear_ibuf [dreg:s7], $0x5FFFF;
	_ =	strace $0x90000046  }
0xb8: {  	s29 =	simm.s32 $0x9;
	_ =	strace $0x80000048  }
0xb9: {  	_ =	swait.ge [sflag:s29], $0x1  }
0xba: {  	[sflag:s29] =	ssyncadd.s32 $0xFFFFFFFF  }
0xbb: {  	_ =	strace $0x90000048  }
0xbc: {  	_ =	sfence  }
0xbd: {  	s30 =	sld [smem:$0x0];
	_ =	sdelay $0x2  }
0xbe: {  	s31 =	sshll.u32 s1, $0xD;
	s1 =	sshrl.u32 s1, $0x2  }
0xbf: {  	s3 =	sand.u32 $0x4000, s31;
	s1 =	sadd.s32 s1, s30  }
0xc0: {  	s0 =	sor.u32 s3, s0;
	s1 =	sshll.u32 s1, $0x11  }
0xc1: {  	s0 =	sor.u32 s1, s0  }
0xc2: {  	s0 =	sadd.s32 $0x8F2B, s0  }
0xc3: {  	[sflag:s0] =	ssyncadd.remote.s32 $0x1  }
0xc4: {  	_ =	sfence.sel $0xFFFF  }
0xc5: {  	[dreg:$0x0] =	wrdreg $0xFFFFFFFF;
	(pc) =	sbr.abs _section_cstart, $3  }
0xc6: {  	[dreg:$0x1] =	wrdreg $0xFFFFFFFF  }
0xc7: {  	_ =	task.clear_ibuf [dreg:s7], $0x2FFFF;
	_ =	strace $0x9FFFFFFF  }
0xc8: {  	(tm) =	ssettm $0x7FFFFFFF  }
0xc9: {  	_ =	shalt  }
tec
execute0_lowered:
.L_overlay_start_1:
0x0: {  	(tag) =	ssettag $0x1  }
0x1: {  	s0 =	srdreg.scid;
	s1 =	rddreg [dreg:$0x0]  }
0x2: {  	s2 =	stileid.u32;
	s3 =	rddreg [dreg:$0x1]  }
0x3: {  	s9 =	simm.s32 $0x80;
	s10 =	simm.s32 $0x800;
	s12 =	simm.s32 $0x1  }
0x4: {  	s7 =	simm.s32 $0x4800;
	s8 =	simm.s32 $0x2;
	s31 =	simm.s32 $0x100  }
0x5: {  	s30 =	simm.s32 $0x180;
	s29 =	simm.s32 $0x200;
	s28 =	simm.s32 $0x280  }
0x6: {  	p0 =	por $0x0, $0x0;
	s0 =	sand.u32 $0x1, s0;
	s2 =	sshll.u32 s2, $0x1  }
0x7: {  	s15 =	simm.s32 $0x780;
	s4 =	sor.u32 s0, s2;
	s2 =	simm.s32 $0x0  }
0x8: {  	s0 =	ssub.s32 $0x2, s0;
	s5 =	sshll.u32 s4, $0x8;
	[smem:$0x7FF] =	sst s2  }
0x9: {  	s4 =	sshll.u32 s4, $0xF;
	s24 =	sshrl.u32 s0, $0x1;
	s5 =	sadd.s32 s5, s1  }
0xa: {  	_ =	strace $0x80000047;
	s1 =	sadd.s32 s4, s1;
	s16 =	sadd.s32 $0xC00, s5  }
0xb: {  	s0 =	ssub.s32 s0, s24;
	s17 =	sadd.s32 $0x2C00, s1;
	[dreg:$0x3] =	wrdreg s16  }
0xc: {  	s4 =	simm.s32 $0x3;
	s18 =	sadd.s32 $0x3400, s1;
	[dreg:$0x4] =	wrdreg s17  }
0xd: {  	s24 =	simm.s32 $0x400;
	s19 =	sadd.s32 $0x3C00, s1;
	[dreg:$0x5] =	wrdreg s18  }
0xe: {  	s20 =	sadd.s32 $0x4400, s1;
	s21 =	sadd.s32 $0x4C00, s1;
	[dreg:$0x6] =	wrdreg s19  }
0xf: {  	s22 =	sadd.s32 $0x5400, s1;
	s23 =	sadd.s32 $0x5C00, s1;
	[dreg:$0x7] =	wrdreg s20  }
0x10: {  	s25 =	sadd.s32 $0x6400, s1;
	s26 =	sadd.s32 $0x6C00, s1;
	[dreg:$0x8] =	wrdreg s21  }
0x11: {  	s14 =	sadd.s32 $0x8400, s1;
	s13 =	sadd.s32 $0x8C00, s1;
	[dreg:$0x9] =	wrdreg s22  }
0x12: {  	s11 =	sadd.s32 $0x9400, s1;
	s0 =	smax.u32 s0, $0x1;
	[dreg:$0xa] =	wrdreg s23  }
0x13: {  	s6 =	sadd.s32 $0x9C00, s1;
	[dreg:$0xb] =	wrdreg s25;
	p1 =	sne.s32 s0, $0x1  }
.Ltmp0:
0x14: {  	s5 =	sadd.s32 $0xA400, s1;
	[dreg:$0xc] =	wrdreg s26;
	(pc) =	sbr.rel @!p1 .LBB2_3-.Ltmp0, $4  }
0x15: {  	s18 =	sadd.s32 $0x7400, s1;
	s16 =	sadd.s32 $0x7C00, s1;
	s26 =	simm.s32 $0x300  }
0x16: {  	s25 =	simm.s32 $0x380;
	s23 =	simm.s32 $0x480;
	s1 =	sadd.s32 $0xFFFFFFFF, s0  }
0x17: {  	s22 =	simm.s32 $0x500;
	s21 =	simm.s32 $0x580;
	s20 =	simm.s32 $0x600  }
0x18: {  	s19 =	simm.s32 $0x680;
	s17 =	simm.s32 $0x700;
	s0 =	rddreg [dreg:$0x3]  }
0x19: {  	[tilespmem:s2], [sflag:$0x3] =	stream.linear.gather [hbm4b:s0+s2], $0x800, $0x38;
	[tilespmem:$0x8800] =	vst v63  }
0x1a: {  	_ =	swait.ge [sflag:s4], $0x800  }
0x1b: {  	[sflag:s4] =	ssyncset.done $0x0  }
0x1c: {  	[sflag:s4] =	ssyncadd.s32 $0xFFFFF800  }
0x1d: {  	[tilespmem:s10], [sflag:$0x1] =	stream.indirect.gather [hbm4b:s3+s9], $0x80, s2, s9, $0xb8;
	[tilespmem:$0x8800] =	vst v63  }
0x1e: {  	_ =	swait.ge [sflag:s12], $0x4000  }
0x1f: {  	[sflag:s12] =	ssyncset.done $0x0  }
0x20: {  	[sflag:s12] =	ssyncadd.s32 $0xFFFFC000  }
0x21: {  	[tilespmem:s7], [sflag:$0x2] =	stream.indirect.gather [hbm4b:s3+s9], $0x80, s9, s9, $0xb8;
	[tilespmem:$0x8800] =	vst v63  }
0x22: {  	s0 =	rddreg [dreg:$0x4]  }
0x23: {  	[hbm4b:s0+s2] =	stream.linear.scatter [tilespmem:s10], [sflag:$0x3], $0x4000, $0x38;
	[tilespmem:$0x8800] =	vst v63  }
0x24: {  	_ =	swait.ge [sflag:s4], $0x4000  }
0x25: {  	[sflag:s4] =	ssyncset.done $0x0  }
0x26: {  	[sflag:s4] =	ssyncadd.s32 $0xFFFFC000  }
0x27: {  	_ =	swait.ge [sflag:s8], $0x4000  }
0x28: {  	[sflag:s8] =	ssyncset.done $0x0  }
0x29: {  	[sflag:s8] =	ssyncadd.s32 $0xFFFFC000  }
0x2a: {  	[tilespmem:s10], [sflag:$0x1] =	stream.indirect.gather [hbm4b:s3+s9], $0x80, s31, s9, $0xb8;
	[tilespmem:$0x8800] =	vst v63  }
0x2b: {  	s0 =	rddreg [dreg:$0x5]  }
0x2c: {  	[hbm4b:s0+s2] =	stream.linear.scatter [tilespmem:s7], [sflag:$0x3], $0x4000, $0x38;
	[tilespmem:$0x8800] =	vst v63  }
0x2d: {  	_ =	swait.ge [sflag:s4], $0x4000  }
0x2e: {  	[sflag:s4] =	ssyncset.done $0x0  }
0x2f: {  	[sflag:s4] =	ssyncadd.s32 $0xFFFFC000  }
0x30: {  	_ =	swait.ge [sflag:s12], $0x4000  }
0x31: {  	[sflag:s12] =	ssyncset.done $0x0  }
0x32: {  	[sflag:s12] =	ssyncadd.s32 $0xFFFFC000  }
0x33: {  	[tilespmem:s7], [sflag:$0x2] =	stream.indirect.gather [hbm4b:s3+s9], $0x80, s30, s9, $0xb8;
	[tilespmem:$0x8800] =	vst v63  }
0x34: {  	s0 =	rddreg [dreg:$0x6]  }
0x35: {  	[hbm4b:s0+s2] =	stream.linear.scatter [tilespmem:s10], [sflag:$0x3], $0x4000, $0x38;
	[tilespmem:$0x8800] =	vst v63  }
0x36: {  	_ =	swait.ge [sflag:s4], $0x4000  }
0x37: {  	[sflag:s4] =	ssyncset.done $0x0  }
0x38: {  	[sflag:s4] =	ssyncadd.s32 $0xFFFFC000  }
0x39: {  	_ =	swait.ge [sflag:s8], $0x4000  }
0x3a: {  	[sflag:s8] =	ssyncset.done $0x0  }
0x3b: {  	[sflag:s8] =	ssyncadd.s32 $0xFFFFC000  }
0x3c: {  	[tilespmem:s10], [sflag:$0x1] =	stream.indirect.gather [hbm4b:s3+s9], $0x80, s29, s9, $0xb8;
	[tilespmem:$0x8800] =	vst v63  }
0x3d: {  	s0 =	rddreg [dreg:$0x7]  }
0x3e: {  	[hbm4b:s0+s2] =	stream.linear.scatter [tilespmem:s7], [sflag:$0x3], $0x4000, $0x38;
	[tilespmem:$0x8800] =	vst v63  }
0x3f: {  	_ =	swait.ge [sflag:s4], $0x4000  }
0x40: {  	[sflag:s4] =	ssyncset.done $0x0  }
0x41: {  	[sflag:s4] =	ssyncadd.s32 $0xFFFFC000  }
0x42: {  	_ =	swait.ge [sflag:s12], $0x4000  }
0x43: {  	[sflag:s12] =	ssyncset.done $0x0  }
0x44: {  	[sflag:s12] =	ssyncadd.s32 $0xFFFFC000  }
0x45: {  	[tilespmem:s7], [sflag:$0x2] =	stream.indirect.gather [hbm4b:s3+s9], $0x80, s28, s9, $0xb8;
	[tilespmem:$0x8800] =	vst v63  }
0x46: {  	s0 =	rddreg [dreg:$0x8]  }
0x47: {  	[hbm4b:s0+s2] =	stream.linear.scatter [tilespmem:s10], [sflag:$0x3], $0x4000, $0x38;
	[tilespmem:$0x8800] =	vst v63  }
0x48: {  	_ =	swait.ge [sflag:s4], $0x4000  }
0x49: {  	[sflag:s4] =	ssyncset.done $0x0  }
0x4a: {  	[sflag:s4] =	ssyncadd.s32 $0xFFFFC000  }
0x4b: {  	_ =	swait.ge [sflag:s8], $0x4000  }
0x4c: {  	[sflag:s8] =	ssyncset.done $0x0  }
0x4d: {  	[sflag:s8] =	ssyncadd.s32 $0xFFFFC000  }
0x4e: {  	[tilespmem:s10], [sflag:$0x1] =	stream.indirect.gather [hbm4b:s3+s9], $0x80, s26, s9, $0xb8;
	[tilespmem:$0x8800] =	vst v63  }
0x4f: {  	s0 =	rddreg [dreg:$0x9]  }
0x50: {  	[hbm4b:s0+s2] =	stream.linear.scatter [tilespmem:s7], [sflag:$0x3], $0x4000, $0x38;
	[tilespmem:$0x8800] =	vst v63  }
0x51: {  	_ =	swait.ge [sflag:s4], $0x4000  }
0x52: {  	[sflag:s4] =	ssyncset.done $0x0  }
0x53: {  	[sflag:s4] =	ssyncadd.s32 $0xFFFFC000  }
0x54: {  	_ =	swait.ge [sflag:s12], $0x4000  }
0x55: {  	[sflag:s12] =	ssyncset.done $0x0  }
0x56: {  	[sflag:s12] =	ssyncadd.s32 $0xFFFFC000  }
0x57: {  	[tilespmem:s7], [sflag:$0x2] =	stream.indirect.gather [hbm4b:s3+s9], $0x80, s25, s9, $0xb8;
	[tilespmem:$0x8800] =	vst v63  }
0x58: {  	s0 =	rddreg [dreg:$0xa]  }
0x59: {  	[hbm4b:s0+s2] =	stream.linear.scatter [tilespmem:s10], [sflag:$0x3], $0x4000, $0x38;
	[tilespmem:$0x8800] =	vst v63  }
0x5a: {  	_ =	swait.ge [sflag:s4], $0x4000  }
0x5b: {  	[sflag:s4] =	ssyncset.done $0x0  }
0x5c: {  	[sflag:s4] =	ssyncadd.s32 $0xFFFFC000  }
0x5d: {  	_ =	swait.ge [sflag:s8], $0x4000  }
0x5e: {  	[sflag:s8] =	ssyncset.done $0x0  }
0x5f: {  	[sflag:s8] =	ssyncadd.s32 $0xFFFFC000  }
0x60: {  	[tilespmem:s10], [sflag:$0x1] =	stream.indirect.gather [hbm4b:s3+s9], $0x80, s24, s9, $0xb8;
	[tilespmem:$0x8800] =	vst v63  }
0x61: {  	s0 =	rddreg [dreg:$0xb]  }
0x62: {  	[hbm4b:s0+s2] =	stream.linear.scatter [tilespmem:s7], [sflag:$0x3], $0x4000, $0x38;
	[tilespmem:$0x8800] =	vst v63  }
0x63: {  	_ =	swait.ge [sflag:s4], $0x4000  }
0x64: {  	[sflag:s4] =	ssyncset.done $0x0  }
0x65: {  	[sflag:s4] =	ssyncadd.s32 $0xFFFFC000  }
0x66: {  	_ =	swait.ge [sflag:s12], $0x4000  }
0x67: {  	[sflag:s12] =	ssyncset.done $0x0  }
0x68: {  	[sflag:s12] =	ssyncadd.s32 $0xFFFFC000  }
0x69: {  	[tilespmem:s7], [sflag:$0x2] =	stream.indirect.gather [hbm4b:s3+s9], $0x80, s23, s9, $0xb8;
	[tilespmem:$0x8800] =	vst v63  }
0x6a: {  	s0 =	rddreg [dreg:$0xc]  }
0x6b: {  	[hbm4b:s0+s2] =	stream.linear.scatter [tilespmem:s10], [sflag:$0x3], $0x4000, $0x38;
	[tilespmem:$0x8800] =	vst v63  }
0x6c: {  	_ =	swait.ge [sflag:s4], $0x4000  }
0x6d: {  	[sflag:s4] =	ssyncset.done $0x0  }
0x6e: {  	[sflag:s4] =	ssyncadd.s32 $0xFFFFC000  }
0x6f: {  	_ =	swait.ge [sflag:s8], $0x4000  }
0x70: {  	[sflag:s8] =	ssyncset.done $0x0  }
0x71: {  	[sflag:s8] =	ssyncadd.s32 $0xFFFFC000  }
0x72: {  	[tilespmem:s10], [sflag:$0x1] =	stream.indirect.gather [hbm4b:s3+s9], $0x80, s22, s9, $0xb8;
	[tilespmem:$0x8800] =	vst v63  }
0x73: {  	_ = 	snop  }
0x74: {  	[hbm4b:s18+s2] =	stream.linear.scatter [tilespmem:s7], [sflag:$0x3], $0x4000, $0x38;
	[tilespmem:$0x8800] =	vst v63  }
0x75: {  	_ =	swait.ge [sflag:s4], $0x4000  }
0x76: {  	[sflag:s4] =	ssyncset.done $0x0  }
0x77: {  	[sflag:s4] =	ssyncadd.s32 $0xFFFFC000  }
0x78: {  	_ =	swait.ge [sflag:s12], $0x4000  }
0x79: {  	[sflag:s12] =	ssyncset.done $0x0  }
0x7a: {  	[sflag:s12] =	ssyncadd.s32 $0xFFFFC000  }
0x7b: {  	[tilespmem:s7], [sflag:$0x2] =	stream.indirect.gather [hbm4b:s3+s9], $0x80, s21, s9, $0xb8;
	[tilespmem:$0x8800] =	vst v63  }
0x7c: {  	_ = 	snop  }
0x7d: {  	[hbm4b:s16+s2] =	stream.linear.scatter [tilespmem:s10], [sflag:$0x3], $0x4000, $0x38;
	[tilespmem:$0x8800] =	vst v63  }
0x7e: {  	_ =	swait.ge [sflag:s4], $0x4000  }
0x7f: {  	[sflag:s4] =	ssyncset.done $0x0  }
0x80: {  	[sflag:s4] =	ssyncadd.s32 $0xFFFFC000  }
0x81: {  	_ =	swait.ge [sflag:s8], $0x4000  }
0x82: {  	[sflag:s8] =	ssyncset.done $0x0  }
0x83: {  	[sflag:s8] =	ssyncadd.s32 $0xFFFFC000  }
0x84: {  	[tilespmem:s10], [sflag:$0x1] =	stream.indirect.gather [hbm4b:s3+s9], $0x80, s20, s9, $0xb8;
	[tilespmem:$0x8800] =	vst v63  }
0x85: {  	_ = 	snop  }
0x86: {  	[hbm4b:s14+s2] =	stream.linear.scatter [tilespmem:s7], [sflag:$0x3], $0x4000, $0x38;
	[tilespmem:$0x8800] =	vst v63  }
0x87: {  	_ =	swait.ge [sflag:s4], $0x4000  }
0x88: {  	[sflag:s4] =	ssyncset.done $0x0  }
0x89: {  	[sflag:s4] =	ssyncadd.s32 $0xFFFFC000  }
0x8a: {  	_ =	swait.ge [sflag:s12], $0x4000  }
0x8b: {  	[sflag:s12] =	ssyncset.done $0x0  }
0x8c: {  	[sflag:s12] =	ssyncadd.s32 $0xFFFFC000  }
0x8d: {  	[tilespmem:s7], [sflag:$0x2] =	stream.indirect.gather [hbm4b:s3+s9], $0x80, s19, s9, $0xb8;
	[tilespmem:$0x8800] =	vst v63  }
0x8e: {  	_ = 	snop  }
0x8f: {  	[hbm4b:s13+s2] =	stream.linear.scatter [tilespmem:s10], [sflag:$0x3], $0x4000, $0x38;
	[tilespmem:$0x8800] =	vst v63  }
0x90: {  	_ =	swait.ge [sflag:s4], $0x4000  }
0x91: {  	[sflag:s4] =	ssyncset.done $0x0  }
0x92: {  	[sflag:s4] =	ssyncadd.s32 $0xFFFFC000  }
0x93: {  	_ =	swait.ge [sflag:s8], $0x4000  }
0x94: {  	[sflag:s8] =	ssyncset.done $0x0  }
0x95: {  	[sflag:s8] =	ssyncadd.s32 $0xFFFFC000  }
0x96: {  	[tilespmem:s10], [sflag:$0x1] =	stream.indirect.gather [hbm4b:s3+s9], $0x80, s17, s9, $0xb8;
	[tilespmem:$0x8800] =	vst v63  }
0x97: {  	_ = 	snop  }
0x98: {  	[hbm4b:s11+s2] =	stream.linear.scatter [tilespmem:s7], [sflag:$0x3], $0x4000, $0x38;
	[tilespmem:$0x8800] =	vst v63  }
0x99: {  	_ =	swait.ge [sflag:s4], $0x4000  }
0x9a: {  	[sflag:s4] =	ssyncset.done $0x0  }
0x9b: {  	[sflag:s4] =	ssyncadd.s32 $0xFFFFC000  }
0x9c: {  	_ =	swait.ge [sflag:s12], $0x4000  }
0x9d: {  	[sflag:s12] =	ssyncset.done $0x0  }
0x9e: {  	[sflag:s12] =	ssyncadd.s32 $0xFFFFC000  }
0x9f: {  	[tilespmem:s7], [sflag:$0x2] =	stream.indirect.gather [hbm4b:s3+s9], $0x80, s15, s9, $0xb8;
	[tilespmem:$0x8800] =	vst v63  }
0xa0: {  	_ = 	snop  }
0xa1: {  	[hbm4b:s6+s2] =	stream.linear.scatter [tilespmem:s10], [sflag:$0x3], $0x4000, $0x38;
	[tilespmem:$0x8800] =	vst v63  }
0xa2: {  	_ =	swait.ge [sflag:s4], $0x4000  }
0xa3: {  	[sflag:s4] =	ssyncset.done $0x0  }
0xa4: {  	[sflag:s4] =	ssyncadd.s32 $0xFFFFC000  }
0xa5: {  	p1 =	sne.s32 s1, $0x1;
	_ =	swait.ge [sflag:s8], $0x4000  }
.Ltmp1:
0xa6: {  	[sflag:s8] =	ssyncset.done $0x0;
	(pc) =	sbr.rel @!p1 .LBB2_3-.Ltmp1, $4  }
0xa7: {  	[sflag:s8] =	ssyncadd.s32 $0xFFFFC000  }
0xa8: {  	[hbm4b:s5+s2] =	stream.linear.scatter [tilespmem:s7], [sflag:$0x3], $0x4000, $0x38;
	[tilespmem:$0x8800] =	vst v63  }
0xa9: {  	s1 =	sadd.s32 $0xFFFFFFFF, s1;
	_ =	swait.ge [sflag:s4], $0x4000  }
0xaa: {  	p0 =	por $0x1, $0x1;
	s0 =	rddreg [dreg:$0x3];
	[sflag:s4] =	ssyncset.done $0x0  }
.LBB2_2:
0xab: {  	[sflag:s4] =	ssyncadd.s32 $0xFFFFC000  }
0xac: {  	[tilespmem:s2], [sflag:$0x3] =	stream.linear.gather [hbm4b:s0+s2], $0x800, $0x38;
	[tilespmem:$0x8800] =	vst v63  }
0xad: {  	_ =	swait.ge [sflag:s4], $0x800  }
0xae: {  	[sflag:s4] =	ssyncset.done $0x0  }
0xaf: {  	[sflag:s4] =	ssyncadd.s32 $0xFFFFF800  }
0xb0: {  	[tilespmem:s10], [sflag:$0x1] =	stream.indirect.gather [hbm4b:s3+s9], $0x80, s2, s9, $0xb8;
	[tilespmem:$0x8800] =	vst v63  }
0xb1: {  	_ =	swait.ge [sflag:s12], $0x4000  }
0xb2: {  	[sflag:s12] =	ssyncset.done $0x0  }
0xb3: {  	[sflag:s12] =	ssyncadd.s32 $0xFFFFC000  }
0xb4: {  	[tilespmem:s7], [sflag:$0x2] =	stream.indirect.gather [hbm4b:s3+s9], $0x80, s9, s9, $0xb8;
	[tilespmem:$0x8800] =	vst v63  }
0xb5: {  	s0 =	rddreg [dreg:$0x4]  }
0xb6: {  	[hbm4b:s0+s2] =	stream.linear.scatter [tilespmem:s10], [sflag:$0x3], $0x4000, $0x38;
	[tilespmem:$0x8800] =	vst v63  }
0xb7: {  	_ =	swait.ge [sflag:s4], $0x4000  }
0xb8: {  	[sflag:s4] =	ssyncset.done $0x0  }
0xb9: {  	[sflag:s4] =	ssyncadd.s32 $0xFFFFC000  }
0xba: {  	_ =	swait.ge [sflag:s8], $0x4000  }
0xbb: {  	[sflag:s8] =	ssyncset.done $0x0  }
0xbc: {  	[sflag:s8] =	ssyncadd.s32 $0xFFFFC000  }
0xbd: {  	[tilespmem:s10], [sflag:$0x1] =	stream.indirect.gather [hbm4b:s3+s9], $0x80, s31, s9, $0xb8;
	[tilespmem:$0x8800] =	vst v63  }
0xbe: {  	s0 =	rddreg [dreg:$0x5]  }
0xbf: {  	[hbm4b:s0+s2] =	stream.linear.scatter [tilespmem:s7], [sflag:$0x3], $0x4000, $0x38;
	[tilespmem:$0x8800] =	vst v63  }
0xc0: {  	_ =	swait.ge [sflag:s4], $0x4000  }
0xc1: {  	[sflag:s4] =	ssyncset.done $0x0  }
0xc2: {  	[sflag:s4] =	ssyncadd.s32 $0xFFFFC000  }
0xc3: {  	_ =	swait.ge [sflag:s12], $0x4000  }
0xc4: {  	[sflag:s12] =	ssyncset.done $0x0  }
0xc5: {  	[sflag:s12] =	ssyncadd.s32 $0xFFFFC000  }
0xc6: {  	[tilespmem:s7], [sflag:$0x2] =	stream.indirect.gather [hbm4b:s3+s9], $0x80, s30, s9, $0xb8;
	[tilespmem:$0x8800] =	vst v63  }
0xc7: {  	s0 =	rddreg [dreg:$0x6]  }
0xc8: {  	[hbm4b:s0+s2] =	stream.linear.scatter [tilespmem:s10], [sflag:$0x3], $0x4000, $0x38;
	[tilespmem:$0x8800] =	vst v63  }
0xc9: {  	_ =	swait.ge [sflag:s4], $0x4000  }
0xca: {  	[sflag:s4] =	ssyncset.done $0x0  }
0xcb: {  	[sflag:s4] =	ssyncadd.s32 $0xFFFFC000  }
0xcc: {  	_ =	swait.ge [sflag:s8], $0x4000  }
0xcd: {  	[sflag:s8] =	ssyncset.done $0x0  }
0xce: {  	[sflag:s8] =	ssyncadd.s32 $0xFFFFC000  }
0xcf: {  	[tilespmem:s10], [sflag:$0x1] =	stream.indirect.gather [hbm4b:s3+s9], $0x80, s29, s9, $0xb8;
	[tilespmem:$0x8800] =	vst v63  }
0xd0: {  	s0 =	rddreg [dreg:$0x7]  }
0xd1: {  	[hbm4b:s0+s2] =	stream.linear.scatter [tilespmem:s7], [sflag:$0x3], $0x4000, $0x38;
	[tilespmem:$0x8800] =	vst v63  }
0xd2: {  	_ =	swait.ge [sflag:s4], $0x4000  }
0xd3: {  	[sflag:s4] =	ssyncset.done $0x0  }
0xd4: {  	[sflag:s4] =	ssyncadd.s32 $0xFFFFC000  }
0xd5: {  	_ =	swait.ge [sflag:s12], $0x4000  }
0xd6: {  	[sflag:s12] =	ssyncset.done $0x0  }
0xd7: {  	[sflag:s12] =	ssyncadd.s32 $0xFFFFC000  }
0xd8: {  	[tilespmem:s7], [sflag:$0x2] =	stream.indirect.gather [hbm4b:s3+s9], $0x80, s28, s9, $0xb8;
	[tilespmem:$0x8800] =	vst v63  }
0xd9: {  	s0 =	rddreg [dreg:$0x8]  }
0xda: {  	[hbm4b:s0+s2] =	stream.linear.scatter [tilespmem:s10], [sflag:$0x3], $0x4000, $0x38;
	[tilespmem:$0x8800] =	vst v63  }
0xdb: {  	_ =	swait.ge [sflag:s4], $0x4000  }
0xdc: {  	[sflag:s4] =	ssyncset.done $0x0  }
0xdd: {  	[sflag:s4] =	ssyncadd.s32 $0xFFFFC000  }
0xde: {  	_ =	swait.ge [sflag:s8], $0x4000  }
0xdf: {  	[sflag:s8] =	ssyncset.done $0x0  }
0xe0: {  	[sflag:s8] =	ssyncadd.s32 $0xFFFFC000  }
0xe1: {  	[tilespmem:s10], [sflag:$0x1] =	stream.indirect.gather [hbm4b:s3+s9], $0x80, s26, s9, $0xb8;
	[tilespmem:$0x8800] =	vst v63  }
0xe2: {  	s0 =	rddreg [dreg:$0x9]  }
0xe3: {  	[hbm4b:s0+s2] =	stream.linear.scatter [tilespmem:s7], [sflag:$0x3], $0x4000, $0x38;
	[tilespmem:$0x8800] =	vst v63  }
0xe4: {  	_ =	swait.ge [sflag:s4], $0x4000  }
0xe5: {  	[sflag:s4] =	ssyncset.done $0x0  }
0xe6: {  	[sflag:s4] =	ssyncadd.s32 $0xFFFFC000  }
0xe7: {  	_ =	swait.ge [sflag:s12], $0x4000  }
0xe8: {  	[sflag:s12] =	ssyncset.done $0x0  }
0xe9: {  	[sflag:s12] =	ssyncadd.s32 $0xFFFFC000  }
0xea: {  	[tilespmem:s7], [sflag:$0x2] =	stream.indirect.gather [hbm4b:s3+s9], $0x80, s25, s9, $0xb8;
	[tilespmem:$0x8800] =	vst v63  }
0xeb: {  	s0 =	rddreg [dreg:$0xa]  }
0xec: {  	[hbm4b:s0+s2] =	stream.linear.scatter [tilespmem:s10], [sflag:$0x3], $0x4000, $0x38;
	[tilespmem:$0x8800] =	vst v63  }
0xed: {  	_ =	swait.ge [sflag:s4], $0x4000  }
0xee: {  	[sflag:s4] =	ssyncset.done $0x0  }
0xef: {  	[sflag:s4] =	ssyncadd.s32 $0xFFFFC000  }
0xf0: {  	_ =	swait.ge [sflag:s8], $0x4000  }
0xf1: {  	[sflag:s8] =	ssyncset.done $0x0  }
0xf2: {  	[sflag:s8] =	ssyncadd.s32 $0xFFFFC000  }
0xf3: {  	[tilespmem:s10], [sflag:$0x1] =	stream.indirect.gather [hbm4b:s3+s9], $0x80, s24, s9, $0xb8;
	[tilespmem:$0x8800] =	vst v63  }
0xf4: {  	s0 =	rddreg [dreg:$0xb]  }
0xf5: {  	[hbm4b:s0+s2] =	stream.linear.scatter [tilespmem:s7], [sflag:$0x3], $0x4000, $0x38;
	[tilespmem:$0x8800] =	vst v63  }
0xf6: {  	_ =	swait.ge [sflag:s4], $0x4000  }
0xf7: {  	[sflag:s4] =	ssyncset.done $0x0  }
0xf8: {  	[sflag:s4] =	ssyncadd.s32 $0xFFFFC000  }
0xf9: {  	_ =	swait.ge [sflag:s12], $0x4000  }
0xfa: {  	[sflag:s12] =	ssyncset.done $0x0  }
0xfb: {  	[sflag:s12] =	ssyncadd.s32 $0xFFFFC000  }
0xfc: {  	[tilespmem:s7], [sflag:$0x2] =	stream.indirect.gather [hbm4b:s3+s9], $0x80, s23, s9, $0xb8;
	[tilespmem:$0x8800] =	vst v63  }
0xfd: {  	s0 =	rddreg [dreg:$0xc]  }
0xfe: {  	[hbm4b:s0+s2] =	stream.linear.scatter [tilespmem:s10], [sflag:$0x3], $0x4000, $0x38;
	[tilespmem:$0x8800] =	vst v63  }
0xff: {  	_ =	swait.ge [sflag:s4], $0x4000  }
0x100: {  	[sflag:s4] =	ssyncset.done $0x0  }
0x101: {  	[sflag:s4] =	ssyncadd.s32 $0xFFFFC000  }
0x102: {  	_ =	swait.ge [sflag:s8], $0x4000  }
0x103: {  	[sflag:s8] =	ssyncset.done $0x0  }
0x104: {  	[sflag:s8] =	ssyncadd.s32 $0xFFFFC000  }
0x105: {  	[tilespmem:s10], [sflag:$0x1] =	stream.indirect.gather [hbm4b:s3+s9], $0x80, s22, s9, $0xb8;
	[tilespmem:$0x8800] =	vst v63  }
0x106: {  	_ = 	snop  }
0x107: {  	[hbm4b:s18+s2] =	stream.linear.scatter [tilespmem:s7], [sflag:$0x3], $0x4000, $0x38;
	[tilespmem:$0x8800] =	vst v63  }
0x108: {  	_ =	swait.ge [sflag:s4], $0x4000  }
0x109: {  	[sflag:s4] =	ssyncset.done $0x0  }
0x10a: {  	[sflag:s4] =	ssyncadd.s32 $0xFFFFC000  }
0x10b: {  	_ =	swait.ge [sflag:s12], $0x4000  }
0x10c: {  	[sflag:s12] =	ssyncset.done $0x0  }
0x10d: {  	[sflag:s12] =	ssyncadd.s32 $0xFFFFC000  }
0x10e: {  	[tilespmem:s7], [sflag:$0x2] =	stream.indirect.gather [hbm4b:s3+s9], $0x80, s21, s9, $0xb8;
	[tilespmem:$0x8800] =	vst v63  }
0x10f: {  	_ = 	snop  }
0x110: {  	[hbm4b:s16+s2] =	stream.linear.scatter [tilespmem:s10], [sflag:$0x3], $0x4000, $0x38;
	[tilespmem:$0x8800] =	vst v63  }
0x111: {  	_ =	swait.ge [sflag:s4], $0x4000  }
0x112: {  	[sflag:s4] =	ssyncset.done $0x0  }
0x113: {  	[sflag:s4] =	ssyncadd.s32 $0xFFFFC000  }
0x114: {  	_ =	swait.ge [sflag:s8], $0x4000  }
0x115: {  	[sflag:s8] =	ssyncset.done $0x0  }
0x116: {  	[sflag:s8] =	ssyncadd.s32 $0xFFFFC000  }
0x117: {  	[tilespmem:s10], [sflag:$0x1] =	stream.indirect.gather [hbm4b:s3+s9], $0x80, s20, s9, $0xb8;
	[tilespmem:$0x8800] =	vst v63  }
0x118: {  	_ = 	snop  }
0x119: {  	[hbm4b:s14+s2] =	stream.linear.scatter [tilespmem:s7], [sflag:$0x3], $0x4000, $0x38;
	[tilespmem:$0x8800] =	vst v63  }
0x11a: {  	_ =	swait.ge [sflag:s4], $0x4000  }
0x11b: {  	[sflag:s4] =	ssyncset.done $0x0  }
0x11c: {  	[sflag:s4] =	ssyncadd.s32 $0xFFFFC000  }
0x11d: {  	_ =	swait.ge [sflag:s12], $0x4000  }
0x11e: {  	[sflag:s12] =	ssyncset.done $0x0  }
0x11f: {  	[sflag:s12] =	ssyncadd.s32 $0xFFFFC000  }
0x120: {  	[tilespmem:s7], [sflag:$0x2] =	stream.indirect.gather [hbm4b:s3+s9], $0x80, s19, s9, $0xb8;
	[tilespmem:$0x8800] =	vst v63  }
0x121: {  	_ = 	snop  }
0x122: {  	[hbm4b:s13+s2] =	stream.linear.scatter [tilespmem:s10], [sflag:$0x3], $0x4000, $0x38;
	[tilespmem:$0x8800] =	vst v63  }
0x123: {  	_ =	swait.ge [sflag:s4], $0x4000  }
0x124: {  	[sflag:s4] =	ssyncset.done $0x0  }
0x125: {  	[sflag:s4] =	ssyncadd.s32 $0xFFFFC000  }
0x126: {  	_ =	swait.ge [sflag:s8], $0x4000  }
0x127: {  	[sflag:s8] =	ssyncset.done $0x0  }
0x128: {  	[sflag:s8] =	ssyncadd.s32 $0xFFFFC000  }
0x129: {  	[tilespmem:s10], [sflag:$0x1] =	stream.indirect.gather [hbm4b:s3+s9], $0x80, s17, s9, $0xb8;
	[tilespmem:$0x8800] =	vst v63  }
0x12a: {  	_ = 	snop  }
0x12b: {  	[hbm4b:s11+s2] =	stream.linear.scatter [tilespmem:s7], [sflag:$0x3], $0x4000, $0x38;
	[tilespmem:$0x8800] =	vst v63  }
0x12c: {  	_ =	swait.ge [sflag:s4], $0x4000  }
0x12d: {  	[sflag:s4] =	ssyncset.done $0x0  }
0x12e: {  	[sflag:s4] =	ssyncadd.s32 $0xFFFFC000  }
0x12f: {  	_ =	swait.ge [sflag:s12], $0x4000  }
0x130: {  	[sflag:s12] =	ssyncset.done $0x0  }
0x131: {  	[sflag:s12] =	ssyncadd.s32 $0xFFFFC000  }
0x132: {  	[tilespmem:s7], [sflag:$0x2] =	stream.indirect.gather [hbm4b:s3+s9], $0x80, s15, s9, $0xb8;
	[tilespmem:$0x8800] =	vst v63  }
0x133: {  	_ = 	snop  }
0x134: {  	[hbm4b:s6+s2] =	stream.linear.scatter [tilespmem:s10], [sflag:$0x3], $0x4000, $0x38;
	[tilespmem:$0x8800] =	vst v63  }
0x135: {  	_ =	swait.ge [sflag:s4], $0x4000  }
0x136: {  	[sflag:s4] =	ssyncset.done $0x0  }
0x137: {  	[sflag:s4] =	ssyncadd.s32 $0xFFFFC000  }
0x138: {  	p1 =	sne.s32 s1, $0x1;
	_ =	swait.ge [sflag:s8], $0x4000  }
.Ltmp2:
0x139: {  	[sflag:s8] =	ssyncset.done $0x0;
	(pc) =	sbr.rel @p1 .LBB2_2-.Ltmp2, $4  }
0x13a: {  	[sflag:s8] =	ssyncadd.s32 $0xFFFFC000  }
0x13b: {  	[hbm4b:s5+s2] =	stream.linear.scatter [tilespmem:s7], [sflag:$0x3], $0x4000, $0x38;
	[tilespmem:$0x8800] =	vst v63  }
0x13c: {  	_ =	swait.ge [sflag:s4], $0x4000  }
0x13d: {  	s1 =	sadd.s32 $0xFFFFFFFF, s1;
	s0 =	rddreg [dreg:$0x3];
	[sflag:s4] =	ssyncset.done $0x0  }
.LBB2_3:
0x13e: {  	[sflag:s4] =	ssyncadd.s32 @p0 $0xFFFFC000  }
0x13f: {  	[tilespmem:s2], [sflag:$0x3] =	stream.linear.gather [hbm4b:s0+s2], $0x800, $0x38;
	[tilespmem:$0x8800] =	vst v63  }
0x140: {  	_ =	swait.ge [sflag:s4], $0x800  }
0x141: {  	[sflag:s4] =	ssyncset.done $0x0  }
0x142: {  	[sflag:s4] =	ssyncadd.s32 $0xFFFFF800  }
0x143: {  	[tilespmem:s10], [sflag:$0x1] =	stream.indirect.gather [hbm4b:s3+s9], $0x80, s2, s9, $0xb8;
	[tilespmem:$0x8800] =	vst v63  }
0x144: {  	_ =	swait.ge [sflag:s12], $0x4000  }
0x145: {  	[sflag:s12] =	ssyncset.done $0x0  }
0x146: {  	[sflag:s12] =	ssyncadd.s32 $0xFFFFC000  }
0x147: {  	[tilespmem:s7], [sflag:$0x2] =	stream.indirect.gather [hbm4b:s3+s9], $0x80, s9, s9, $0xb8;
	[tilespmem:$0x8800] =	vst v63  }
0x148: {  	s1 =	rddreg [dreg:$0x4]  }
0x149: {  	[hbm4b:s1+s2] =	stream.linear.scatter [tilespmem:s10], [sflag:$0x3], $0x4000, $0x38;
	[tilespmem:$0x8800] =	vst v63  }
0x14a: {  	_ =	swait.ge [sflag:s4], $0x4000  }
0x14b: {  	[sflag:s4] =	ssyncset.done $0x0  }
0x14c: {  	[sflag:s4] =	ssyncadd.s32 $0xFFFFC000  }
0x14d: {  	_ =	swait.ge [sflag:s8], $0x4000  }
0x14e: {  	[sflag:s8] =	ssyncset.done $0x0  }
0x14f: {  	[sflag:s8] =	ssyncadd.s32 $0xFFFFC000  }
0x150: {  	[tilespmem:s10], [sflag:$0x1] =	stream.indirect.gather [hbm4b:s3+s9], $0x80, s31, s9, $0xb8;
	[tilespmem:$0x8800] =	vst v63  }
0x151: {  	s1 =	rddreg [dreg:$0x5]  }
0x152: {  	[hbm4b:s1+s2] =	stream.linear.scatter [tilespmem:s7], [sflag:$0x3], $0x4000, $0x38;
	[tilespmem:$0x8800] =	vst v63  }
0x153: {  	_ =	swait.ge [sflag:s4], $0x4000  }
0x154: {  	[sflag:s4] =	ssyncset.done $0x0  }
0x155: {  	[sflag:s4] =	ssyncadd.s32 $0xFFFFC000  }
0x156: {  	_ =	swait.ge [sflag:s12], $0x4000  }
0x157: {  	[sflag:s12] =	ssyncset.done $0x0  }
0x158: {  	[sflag:s12] =	ssyncadd.s32 $0xFFFFC000  }
0x159: {  	[tilespmem:s7], [sflag:$0x2] =	stream.indirect.gather [hbm4b:s3+s9], $0x80, s30, s9, $0xb8;
	[tilespmem:$0x8800] =	vst v63  }
0x15a: {  	s1 =	rddreg [dreg:$0x6]  }
0x15b: {  	[hbm4b:s1+s2] =	stream.linear.scatter [tilespmem:s10], [sflag:$0x3], $0x4000, $0x38;
	[tilespmem:$0x8800] =	vst v63  }
0x15c: {  	_ =	swait.ge [sflag:s4], $0x4000  }
0x15d: {  	[sflag:s4] =	ssyncset.done $0x0  }
0x15e: {  	[sflag:s4] =	ssyncadd.s32 $0xFFFFC000  }
0x15f: {  	_ =	swait.ge [sflag:s8], $0x4000  }
0x160: {  	[sflag:s8] =	ssyncset.done $0x0  }
0x161: {  	[sflag:s8] =	ssyncadd.s32 $0xFFFFC000  }
0x162: {  	[tilespmem:s10], [sflag:$0x1] =	stream.indirect.gather [hbm4b:s3+s9], $0x80, s29, s9, $0xb8;
	[tilespmem:$0x8800] =	vst v63  }
0x163: {  	s30 =	rddreg [dreg:$0x7]  }
0x164: {  	[hbm4b:s30+s2] =	stream.linear.scatter [tilespmem:s7], [sflag:$0x3], $0x4000, $0x38;
	[tilespmem:$0x8800] =	vst v63  }
0x165: {  	_ =	swait.ge [sflag:s4], $0x4000  }
0x166: {  	[sflag:s4] =	ssyncset.done $0x0  }
0x167: {  	[sflag:s4] =	ssyncadd.s32 $0xFFFFC000  }
0x168: {  	_ =	swait.ge [sflag:s12], $0x4000  }
0x169: {  	[sflag:s12] =	ssyncset.done $0x0  }
0x16a: {  	[sflag:s12] =	ssyncadd.s32 $0xFFFFC000  }
0x16b: {  	[tilespmem:s7], [sflag:$0x2] =	stream.indirect.gather [hbm4b:s3+s9], $0x80, s28, s9, $0xb8;
	[tilespmem:$0x8800] =	vst v63  }
0x16c: {  	s31 =	rddreg [dreg:$0x8]  }
0x16d: {  	[hbm4b:s31+s2] =	stream.linear.scatter [tilespmem:s10], [sflag:$0x3], $0x4000, $0x38;
	[tilespmem:$0x8800] =	vst v63  }
0x16e: {  	_ =	swait.ge [sflag:s4], $0x4000  }
0x16f: {  	[sflag:s4] =	ssyncset.done $0x0  }
0x170: {  	[sflag:s4] =	ssyncadd.s32 $0xFFFFC000  }
0x171: {  	_ =	swait.ge [sflag:s8], $0x4000  }
0x172: {  	[sflag:s8] =	ssyncset.done $0x0  }
0x173: {  	[sflag:s8] =	ssyncadd.s32 $0xFFFFC000  }
0x174: {  	[tilespmem:s10], [sflag:$0x1] =	stream.indirect.gather [hbm4b:s3+s9], $0x80, s26, s9, $0xb8;
	[tilespmem:$0x8800] =	vst v63  }
0x175: {  	s1 =	rddreg [dreg:$0x9]  }
0x176: {  	[hbm4b:s1+s2] =	stream.linear.scatter [tilespmem:s7], [sflag:$0x3], $0x4000, $0x38;
	[tilespmem:$0x8800] =	vst v63  }
0x177: {  	_ =	swait.ge [sflag:s4], $0x4000  }
0x178: {  	[sflag:s4] =	ssyncset.done $0x0  }
0x179: {  	[sflag:s4] =	ssyncadd.s32 $0xFFFFC000  }
0x17a: {  	_ =	swait.ge [sflag:s12], $0x4000  }
0x17b: {  	[sflag:s12] =	ssyncset.done $0x0  }
0x17c: {  	[sflag:s12] =	ssyncadd.s32 $0xFFFFC000  }
0x17d: {  	[tilespmem:s7], [sflag:$0x2] =	stream.indirect.gather [hbm4b:s3+s9], $0x80, s25, s9, $0xb8;
	[tilespmem:$0x8800] =	vst v63  }
0x17e: {  	s28 =	rddreg [dreg:$0xa]  }
0x17f: {  	[hbm4b:s28+s2] =	stream.linear.scatter [tilespmem:s10], [sflag:$0x3], $0x4000, $0x38;
	[tilespmem:$0x8800] =	vst v63  }
0x180: {  	_ =	swait.ge [sflag:s4], $0x4000  }
0x181: {  	[sflag:s4] =	ssyncset.done $0x0  }
0x182: {  	[sflag:s4] =	ssyncadd.s32 $0xFFFFC000  }
0x183: {  	_ =	swait.ge [sflag:s8], $0x4000  }
0x184: {  	[sflag:s8] =	ssyncset.done $0x0  }
0x185: {  	[sflag:s8] =	ssyncadd.s32 $0xFFFFC000  }
0x186: {  	[tilespmem:s10], [sflag:$0x1] =	stream.indirect.gather [hbm4b:s3+s9], $0x80, s24, s9, $0xb8;
	[tilespmem:$0x8800] =	vst v63  }
0x187: {  	s29 =	rddreg [dreg:$0xb]  }
0x188: {  	[hbm4b:s29+s2] =	stream.linear.scatter [tilespmem:s7], [sflag:$0x3], $0x4000, $0x38;
	[tilespmem:$0x8800] =	vst v63  }
0x189: {  	_ =	swait.ge [sflag:s4], $0x4000  }
0x18a: {  	[sflag:s4] =	ssyncset.done $0x0  }
0x18b: {  	[sflag:s4] =	ssyncadd.s32 $0xFFFFC000  }
0x18c: {  	_ =	swait.ge [sflag:s12], $0x4000  }
0x18d: {  	[sflag:s12] =	ssyncset.done $0x0  }
0x18e: {  	[sflag:s12] =	ssyncadd.s32 $0xFFFFC000  }
0x18f: {  	[tilespmem:s7], [sflag:$0x2] =	stream.indirect.gather [hbm4b:s3+s9], $0x80, s23, s9, $0xb8;
	[tilespmem:$0x8800] =	vst v63  }
0x190: {  	s30 =	rddreg [dreg:$0xc]  }
0x191: {  	[hbm4b:s30+s2] =	stream.linear.scatter [tilespmem:s10], [sflag:$0x3], $0x4000, $0x38;
	[tilespmem:$0x8800] =	vst v63  }
0x192: {  	_ =	swait.ge [sflag:s4], $0x4000  }
0x193: {  	[sflag:s4] =	ssyncset.done $0x0  }
0x194: {  	[sflag:s4] =	ssyncadd.s32 $0xFFFFC000  }
0x195: {  	_ =	swait.ge [sflag:s8], $0x4000  }
0x196: {  	[sflag:s8] =	ssyncset.done $0x0  }
0x197: {  	[sflag:s8] =	ssyncadd.s32 $0xFFFFC000  }
0x198: {  	[tilespmem:s10], [sflag:$0x1] =	stream.indirect.gather [hbm4b:s3+s9], $0x80, s22, s9, $0xb8;
	[tilespmem:$0x8800] =	vst v63  }
0x199: {  	_ = 	snop  }
0x19a: {  	[hbm4b:s18+s2] =	stream.linear.scatter [tilespmem:s7], [sflag:$0x3], $0x4000, $0x38;
	[tilespmem:$0x8800] =	vst v63  }
0x19b: {  	_ =	swait.ge [sflag:s4], $0x4000  }
0x19c: {  	[sflag:s4] =	ssyncset.done $0x0  }
0x19d: {  	[sflag:s4] =	ssyncadd.s32 $0xFFFFC000  }
0x19e: {  	_ =	swait.ge [sflag:s12], $0x4000  }
0x19f: {  	[sflag:s12] =	ssyncset.done $0x0  }
0x1a0: {  	[sflag:s12] =	ssyncadd.s32 $0xFFFFC000  }
0x1a1: {  	[tilespmem:s7], [sflag:$0x2] =	stream.indirect.gather [hbm4b:s3+s9], $0x80, s21, s9, $0xb8;
	[tilespmem:$0x8800] =	vst v63  }
0x1a2: {  	_ = 	snop  }
0x1a3: {  	[hbm4b:s16+s2] =	stream.linear.scatter [tilespmem:s10], [sflag:$0x3], $0x4000, $0x38;
	[tilespmem:$0x8800] =	vst v63  }
0x1a4: {  	_ =	swait.ge [sflag:s4], $0x4000  }
0x1a5: {  	[sflag:s4] =	ssyncset.done $0x0  }
0x1a6: {  	[sflag:s4] =	ssyncadd.s32 $0xFFFFC000  }
0x1a7: {  	_ =	swait.ge [sflag:s8], $0x4000  }
0x1a8: {  	[sflag:s8] =	ssyncset.done $0x0  }
0x1a9: {  	[sflag:s8] =	ssyncadd.s32 $0xFFFFC000  }
0x1aa: {  	[tilespmem:s10], [sflag:$0x1] =	stream.indirect.gather [hbm4b:s3+s9], $0x80, s20, s9, $0xb8;
	[tilespmem:$0x8800] =	vst v63  }
0x1ab: {  	_ = 	snop  }
0x1ac: {  	[hbm4b:s14+s2] =	stream.linear.scatter [tilespmem:s7], [sflag:$0x3], $0x4000, $0x38;
	[tilespmem:$0x8800] =	vst v63  }
0x1ad: {  	_ =	swait.ge [sflag:s4], $0x4000  }
0x1ae: {  	[sflag:s4] =	ssyncset.done $0x0  }
0x1af: {  	[sflag:s4] =	ssyncadd.s32 $0xFFFFC000  }
0x1b0: {  	_ =	swait.ge [sflag:s12], $0x4000  }
0x1b1: {  	[sflag:s12] =	ssyncset.done $0x0  }
0x1b2: {  	[sflag:s12] =	ssyncadd.s32 $0xFFFFC000  }
0x1b3: {  	[tilespmem:s7], [sflag:$0x2] =	stream.indirect.gather [hbm4b:s3+s9], $0x80, s19, s9, $0xb8;
	[tilespmem:$0x8800] =	vst v63  }
0x1b4: {  	_ = 	snop  }
0x1b5: {  	[hbm4b:s13+s2] =	stream.linear.scatter [tilespmem:s10], [sflag:$0x3], $0x4000, $0x38;
	[tilespmem:$0x8800] =	vst v63  }
0x1b6: {  	_ =	swait.ge [sflag:s4], $0x4000  }
0x1b7: {  	[sflag:s4] =	ssyncset.done $0x0  }
0x1b8: {  	[sflag:s4] =	ssyncadd.s32 $0xFFFFC000  }
0x1b9: {  	_ =	swait.ge [sflag:s8], $0x4000  }
0x1ba: {  	[sflag:s8] =	ssyncset.done $0x0  }
0x1bb: {  	[sflag:s8] =	ssyncadd.s32 $0xFFFFC000  }
0x1bc: {  	[tilespmem:s10], [sflag:$0x1] =	stream.indirect.gather [hbm4b:s3+s9], $0x80, s17, s9, $0xb8;
	[tilespmem:$0x8800] =	vst v63  }
0x1bd: {  	_ = 	snop  }
0x1be: {  	[hbm4b:s11+s2] =	stream.linear.scatter [tilespmem:s7], [sflag:$0x3], $0x4000, $0x38;
	[tilespmem:$0x8800] =	vst v63  }
0x1bf: {  	_ =	swait.ge [sflag:s4], $0x4000  }
0x1c0: {  	[sflag:s4] =	ssyncset.done $0x0  }
0x1c1: {  	[sflag:s4] =	ssyncadd.s32 $0xFFFFC000  }
0x1c2: {  	_ =	swait.ge [sflag:s12], $0x4000  }
0x1c3: {  	[sflag:s12] =	ssyncset.done $0x0  }
0x1c4: {  	[sflag:s12] =	ssyncadd.s32 $0xFFFFC000  }
0x1c5: {  	[tilespmem:s7], [sflag:$0x2] =	stream.indirect.gather [hbm4b:s3+s9], $0x80, s15, s9, $0xb8;
	[tilespmem:$0x8800] =	vst v63  }
0x1c6: {  	_ = 	snop  }
0x1c7: {  	[hbm4b:s6+s2] =	stream.linear.scatter [tilespmem:s10], [sflag:$0x3], $0x4000, $0x38;
	[tilespmem:$0x8800] =	vst v63  }
0x1c8: {  	_ =	swait.ge [sflag:s4], $0x4000  }
0x1c9: {  	[sflag:s4] =	ssyncset.done $0x0  }
0x1ca: {  	[sflag:s4] =	ssyncadd.s32 $0xFFFFC000  }
0x1cb: {  	_ =	swait.ge [sflag:s8], $0x4000  }
0x1cc: {  	[sflag:s8] =	ssyncset.done $0x0  }
0x1cd: {  	[sflag:s8] =	ssyncadd.s32 $0xFFFFC000  }
0x1ce: {  	[hbm4b:s5+s2] =	stream.linear.scatter [tilespmem:s7], [sflag:$0x3], $0x4000, $0x38;
	[tilespmem:$0x8800] =	vst v63  }
0x1cf: {  	_ =	swait.ge [sflag:s4], $0x4000  }
0x1d0: {  	[sflag:s4] =	ssyncset.done $0x0  }
0x1d1: {  	[sflag:s4] =	ssyncadd.s32 $0xFFFFC000  }
0x1d2: {  	_ =	sfence.sel $0x180000  }
0x1d3: {  	[bflag:$0x0] =	sbarrier.arrive $0xFFFF  }
0x1d4: {  	_ =	strace $0x90000047  }
0x1d5: {  	s31 =	stileid.u32;
	[bflag:$0x2] =	sbarrier.arrive $0xFFFF  }
0x1d6: {  	p0 =	sne.s32 s31, $0x0;
	s0 =	rddreg [dreg:$0x2]  }
0x1d7: {  	s0 =	sadd.s32 @!p0 $0x100000, s0  }
0x1d8: {  	[sflag:s0] =	ssyncadd.tile.s32 @!p0 $0x1;
	_ =	shalt  }
.Lfunc_end2:
_tile_overlayer_lowered:
.L_overlay_start_2:
0x1d9: {  	(tag) =	ssettag $0x2  }
0x1da: {  	s0 =	rddreg [dreg:$0x0];
	s2 =	stileid.u32  }
0x1db: {  	s1 =	rddreg [dreg:$0x1];
	p0 =	sne.s32 s2, $0x0  }
0x1dc: {  	s3 =	rddreg [dreg:$0x2];
	[bflag:$0x3] =	sbarrier.arrive $0xFFFF;
	s2 =	simm.s32 @!p0 $0x1C03  }
0x1dd: {  	[timem:s3], [sflag:s2] =	dma.local @!p0 [hbm:s0], s1  }
0x1de: {  	s0 =	simm.s32 @!p0 $0x3  }
0x1df: {  	_ =	swait.ge @!p0 [sflag:s0], s1  }
0x1e0: {  	s1 =	ssub.s32 @!p0 $0x0, s1;
	[sflag:s0] =	ssyncset.done @!p0 $0x0  }
0x1e1: {  	[sflag:s0] =	ssyncadd.s32 @!p0 s1  }
0x1e2: {  	[bflag:$0x3] =	sbarrier.arrive $0xFFFF  }
0x1e3: {  	_ =	shalt  }

</sc_bundles>
